<compile_context>
chip_gen: v7x
topology: tpu7x:2x2x1
jax: 0.10.2.dev20260603
libtpu: 0.0.44.dev20260713+nightly
codegen_flags: <defaults>
</compile_context>

<pallas_src>
import functools
import math

import jax
import jax.numpy as jnp
from jax import lax
from jax.experimental import pallas as pl
from jax.experimental.pallas import tpu as pltpu
from jax.experimental.pallas import tpu_sc as plsc

D_MODEL = 1024
D_HIDDEN = 4096
N_EXPERTS = 8
BT = 4096
CAP = 640
NUM_SLOTS = N_EXPERTS * CAP
DUMP_ROW = NUM_SLOTS
PASS_BASE = NUM_SLOTS + 8
BIG_ROWS = PASS_BASE + BT

TOK_BLK = 1024
RANK_BLK = 512
HID_BLK = 1024
NW = 32
TPW = BT // NW
CHUNK = 32



def _gate_body(x_ref, wg_ref, s_ref, e_ref):
    xb = x_ref[...]
    wg = wg_ref[...]
    lg = lax.dot_general(wg, xb, (((1,), (1,)), ((), ())),
                         preferred_element_type=jnp.float32)
    m = jnp.max(lg, axis=0, keepdims=True)
    p = jnp.exp(lg - m)
    s = jnp.sum(p, axis=0, keepdims=True)
    probs = p / s
    s_ref[...] = jnp.max(probs, axis=0, keepdims=True)
    e_ref[...] = jnp.argmax(probs, axis=0, keepdims=True).astype(jnp.int32)


def _gate(x_flat, wg):
    return pl.pallas_call(
        _gate_body,
        grid=(BT // TOK_BLK,),
        in_specs=[
            pl.BlockSpec((TOK_BLK, D_MODEL), lambda i: (i, 0)),
            pl.BlockSpec((N_EXPERTS, D_MODEL), lambda i: (0, 0)),
        ],
        out_specs=[
            pl.BlockSpec((1, TOK_BLK), lambda i: (0, i)),
            pl.BlockSpec((1, TOK_BLK), lambda i: (0, i)),
        ],
        out_shape=[
            jax.ShapeDtypeStruct((1, BT), jnp.float32),
            jax.ShapeDtypeStruct((1, BT), jnp.int32),
        ],
    )(x_flat, wg)



def _rank_body(s_row_ref, e_row_ref, s_col_ref, e_col_ref,
               ds_ref, dg_ref, lb_ref, ov_ref):
    i = pl.program_id(0)
    sc = s_col_ref[...]
    ec = e_col_ref[...]
    colidx = i * RANK_BLK + lax.broadcasted_iota(jnp.int32, (RANK_BLK, 1), 0)
    cnt = jnp.zeros((RANK_BLK, 1), jnp.float32)
    for c in range(BT // RANK_BLK):
        sr = s_row_ref[:, c * RANK_BLK:(c + 1) * RANK_BLK]
        er = e_row_ref[:, c * RANK_BLK:(c + 1) * RANK_BLK]
        rowidx = c * RANK_BLK + lax.broadcasted_iota(
            jnp.int32, (1, RANK_BLK), 1)
        same = er == ec
        beat = (sr > sc) | ((sr == sc) & (rowidx < colidx))
        cnt = cnt + jnp.sum(jnp.where(same & beat, 1.0, 0.0),
                            axis=1, keepdims=True)
    rank = cnt.astype(jnp.int32)
    kept = rank < CAP
    slot = ec * CAP + rank
    ds_ref[...] = jnp.where(kept, slot, DUMP_ROW)
    dg_ref[...] = jnp.where(kept, slot, PASS_BASE + colidx)

    @pl.when(i == 0)
    def _():
        er_all = e_row_ref[...]
        eix = lax.broadcasted_iota(jnp.int32, (N_EXPERTS, 1), 0)
        counts = jnp.sum(jnp.where(er_all == eix, 1.0, 0.0),
                         axis=1, keepdims=True)
        expected = float(BT) / N_EXPERTS
        lb = (jnp.sum((counts - expected) ** 2, axis=0, keepdims=True)
              / N_EXPERTS) / (expected * expected)
        ov = jnp.sum(jnp.maximum(counts - float(CAP), 0.0),
                     axis=0, keepdims=True) / float(BT)
        lb_ref[...] = lb
        ov_ref[...] = ov


def _rank(s_row, e_row, s_col, e_col):
    nblk = BT // RANK_BLK
    return pl.pallas_call(
        _rank_body,
        grid=(nblk,),
        in_specs=[
            pl.BlockSpec((1, BT), lambda i: (0, 0)),
            pl.BlockSpec((1, BT), lambda i: (0, 0)),
            pl.BlockSpec((RANK_BLK, 1), lambda i: (i, 0)),
            pl.BlockSpec((RANK_BLK, 1), lambda i: (i, 0)),
        ],
        out_specs=[
            pl.BlockSpec((RANK_BLK, 1), lambda i: (i, 0)),
            pl.BlockSpec((RANK_BLK, 1), lambda i: (i, 0)),
            pl.BlockSpec((1, 1), lambda i: (0, 0)),
            pl.BlockSpec((1, 1), lambda i: (0, 0)),
        ],
        out_shape=[
            jax.ShapeDtypeStruct((BT, 1), jnp.int32),
            jax.ShapeDtypeStruct((BT, 1), jnp.int32),
            jax.ShapeDtypeStruct((1, 1), jnp.float32),
            jax.ShapeDtypeStruct((1, 1), jnp.float32),
        ],
    )(s_row, e_row, s_col, e_col)



@functools.cache
def _sc_scatter_kernel():
    mesh = plsc.VectorSubcoreMesh(core_axis_name="c", subcore_axis_name="s")

    @functools.partial(
        pl.kernel,
        mesh=mesh,
        out_type=jax.ShapeDtypeStruct((BIG_ROWS, D_MODEL), jnp.float32),
        scratch_types=[
            pltpu.VMEM((CHUNK,), jnp.int32),
            pltpu.VMEM((CHUNK, D_MODEL), jnp.float32),
            pltpu.SemaphoreType.DMA,
            pltpu.SemaphoreType.DMA,
        ],
    )
    def _sc_scatter(x_hbm, ds_hbm, big_hbm, idx_v, rows_v, sem, sem2):
        wid = lax.axis_index("s") * 2 + lax.axis_index("c")
        base = wid * TPW
        for cstart in range(0, TPW, CHUNK):
            sl = pl.ds(base + cstart, CHUNK)
            pltpu.sync_copy(ds_hbm.at[sl], idx_v)
            pltpu.sync_copy(x_hbm.at[sl], rows_v)
            ps = pl.ds(PASS_BASE + base + cstart, CHUNK)
            cp = pltpu.async_copy(rows_v, big_hbm.at[ps], sem2)
            pltpu.async_copy(rows_v, big_hbm.at[idx_v], sem).wait()
            cp.wait()

    return _sc_scatter



def _ffn_body(xs_ref, w1_ref, b1_ref, w2_ref, b2_ref, ys_ref, x16_ref):
    hk = pl.program_id(1)

    @pl.when(hk == 0)
    def _():
        x16_ref[...] = xs_ref[...].astype(jnp.bfloat16)

    xb = x16_ref[...]
    w1 = w1_ref[0].astype(jnp.bfloat16)
    h = lax.dot_general(xb, w1, (((1,), (1,)), ((), ())),
                        preferred_element_type=jnp.float32)
    h = jax.nn.gelu(h + b1_ref[0])
    w2 = w2_ref[0].astype(jnp.bfloat16)
    part = lax.dot_general(h.astype(jnp.bfloat16), w2,
                           (((1,), (1,)), ((), ())),
                           preferred_element_type=jnp.float32)

    @pl.when(hk == 0)
    def _():
        ys_ref[...] = part + b2_ref[0]

    @pl.when(hk != 0)
    def _():
        ys_ref[...] = ys_ref[...] + part


def _ffn(xs, w1, b1, w2, b2):
    nh = D_HIDDEN // HID_BLK
    return pl.pallas_call(
        _ffn_body,
        grid=(N_EXPERTS, nh),
        in_specs=[
            pl.BlockSpec((CAP, D_MODEL), lambda e, hk: (e, 0)),
            pl.BlockSpec((1, HID_BLK, D_MODEL), lambda e, hk: (e, hk, 0)),
            pl.BlockSpec((1, 1, HID_BLK), lambda e, hk: (e, 0, hk)),
            pl.BlockSpec((1, D_MODEL, HID_BLK), lambda e, hk: (e, 0, hk)),
            pl.BlockSpec((1, 1, D_MODEL), lambda e, hk: (e, 0, 0)),
        ],
        out_specs=pl.BlockSpec((CAP, D_MODEL), lambda e, hk: (e, 0)),
        out_shape=jax.ShapeDtypeStruct((BIG_ROWS, D_MODEL), jnp.float32),
        scratch_shapes=[pltpu.VMEM((CAP, D_MODEL), jnp.bfloat16)],
        input_output_aliases={0: 0},
        compiler_params=pltpu.CompilerParams(
            dimension_semantics=("arbitrary", "arbitrary")),
    )(xs, w1, b1.reshape(N_EXPERTS, 1, D_HIDDEN),
      w2, b2.reshape(N_EXPERTS, 1, D_MODEL))



@functools.cache
def _sc_gather_kernel():
    mesh = plsc.VectorSubcoreMesh(core_axis_name="c", subcore_axis_name="s")

    @functools.partial(
        pl.kernel,
        mesh=mesh,
        out_type=jax.ShapeDtypeStruct((BT, D_MODEL), jnp.float32),
        scratch_types=[
            pltpu.VMEM((CHUNK,), jnp.int32),
            pltpu.VMEM((CHUNK, D_MODEL), jnp.float32),
            pltpu.SemaphoreType.DMA,
        ],
    )
    def _sc_gather(big_hbm, dg_hbm, y_hbm, gi_v, yrows_v, sem1):
        wid = lax.axis_index("s") * 2 + lax.axis_index("c")
        base = wid * TPW
        for cstart in range(0, TPW, CHUNK):
            sl = pl.ds(base + cstart, CHUNK)
            pltpu.sync_copy(dg_hbm.at[sl], gi_v)
            pltpu.async_copy(big_hbm.at[gi_v], yrows_v, sem1).wait()
            pltpu.sync_copy(yrows_v, y_hbm.at[sl])

    return _sc_gather



def kernel(x, Wg, W1, b1, W2, b2):
    Bx, Tx, D = x.shape
    x_flat = x.reshape(BT, D)
    scores, eids = _gate(x_flat, Wg)
    s_col = scores.reshape(BT, 1)
    e_col = eids.reshape(BT, 1)
    ds, dg, lb, ov = _rank(scores, eids, s_col, e_col)
    big = _sc_scatter_kernel()(x_flat, ds.reshape(BT))
    big = _ffn(big, W1, b1, W2, b2)
    y = _sc_gather_kernel()(big, dg.reshape(BT))
    return y.reshape(Bx, Tx, D), lb[0, 0], ov[0, 0]

# --- scband reference (transcript-rebuilt; emitter-appended) ---
"""Pipeline reference for scband-expert-choice-mo-e-fast-52673478918147 (READ-ONLY COPY).

The authoritative reference and input builder live on the scoring server;
editing this copy changes nothing except your own understanding.
"""

import math
import jax
import jax.numpy as jnp
import numpy as np

D_MODEL = 1024
D_HIDDEN = 4096
N_EXPERTS = 8
CAP_FACTOR = 1.25
B, T = 2, 2048


def setup_inputs(seed: int = 0) -> dict:
    key = jax.random.key(seed)
    ks = jax.random.split(key, 6)
    x = jax.random.normal(ks[0], (B, T, D_MODEL), dtype=jnp.float32)
    Wg = jax.random.normal(ks[1], (N_EXPERTS, D_MODEL), dtype=jnp.float32) * (1.0 / math.sqrt(D_MODEL))
    W1 = jax.random.normal(ks[2], (N_EXPERTS, D_HIDDEN, D_MODEL), dtype=jnp.float32) * (1.0 / math.sqrt(D_MODEL))
    b1 = jnp.zeros((N_EXPERTS, D_HIDDEN), dtype=jnp.float32)
    W2 = jax.random.normal(ks[3], (N_EXPERTS, D_MODEL, D_HIDDEN), dtype=jnp.float32) * (1.0 / math.sqrt(D_HIDDEN))
    b2 = jnp.zeros((N_EXPERTS, D_MODEL), dtype=jnp.float32)
    return {"x": x, "Wg": Wg, "W1": W1, "b1": b1, "W2": W2, "b2": b2}


def reference(x, Wg, W1, b1, W2, b2):
    Bx, Tx, D = x.shape
    N = Wg.shape[0]
    BT = Bx * Tx
    # gate
    logits = jnp.einsum('btd,nd->btn', x, Wg)
    probs = jax.nn.softmax(logits, axis=-1)
    top1_val = probs.max(axis=-1)
    top1_idx = probs.argmax(axis=-1)
    x_flat = x.reshape(BT, D)
    eids = top1_idx.reshape(-1)
    scores = top1_val.reshape(-1)
    counts_req = jnp.bincount(eids, length=N).astype(jnp.float32)
    expected = jnp.full((N,), float(BT) / N, dtype=jnp.float32)
    lb_loss = ((counts_req - expected) ** 2).mean() / (jnp.clip(expected, 1.0, None) ** 2).mean()
    C = math.ceil(CAP_FACTOR * (BT / N))
    y_flat = x_flat
    for e in range(N):
        masked_sc = jnp.where(eids == e, scores, -jnp.inf)
        topv, topi = jax.lax.top_k(masked_sc, C)
        valid = topv > -jnp.inf
        x_e = x_flat[topi]
        h = jax.nn.gelu(x_e @ W1[e].T + b1[e])
        y_e = h @ W2[e].T + b2[e]
        cur = y_flat[topi]
        y_new = jnp.where(valid[:, None], y_e, cur)
        y_flat = y_flat.at[topi].set(y_new)
    dropped = jnp.sum(jnp.maximum(counts_req - float(C), 0.0))
    overflow = dropped / float(max(1, BT))
    y = y_flat.reshape(Bx, Tx, D)
    return (y, lb_loss, overflow)

if __name__ == "__main__":
    import jax
    _d = setup_inputs()
    print(jax.jit(kernel)(*tuple(_d.values())))

</pallas_src>

<mosaic_0001>
#map = affine_map<(d0, d1) -> (0, 0)>
#map1 = affine_map<(d0, d1) -> (0)>
module attributes {stable_mosaic.version = 14 : i64} {
  func.func @_sc_scatter(%arg0: i32, %arg1: i32, %arg2: memref<4096x1024xf32, #tpu.memory_space<hbm>>, %arg3: memref<4096xi32, #tpu.memory_space<hbm>>, %arg4: memref<9224x1024xf32, #tpu.memory_space<hbm>>, %arg5: memref<32xi32, #tpu.memory_space<vmem>>, %arg6: memref<32x1024xf32, #tpu.memory_space<vmem>>, %arg7: memref<!tpu.dma_semaphore, #tpu.memory_space<semaphore_mem>>, %arg8: memref<!tpu.dma_semaphore, #tpu.memory_space<semaphore_mem>>) attributes {dimension_semantics = [#tpu.dimension_semantics<core_parallel>, #tpu.dimension_semantics<subcore_parallel>], iteration_bounds = array<i64: 2, 16>, scalar_prefetch = 0 : i64, scratch_operands = 4 : i64, tpu.core_type = #tpu.core_type<sc_vector_subcore>, window_params = [{transform_indices = #map}, {transform_indices = #map1}, {transform_indices = #map}]} {
    %mul3A = arith.constant 2 : i32
    %mul3A_0 = arith.muli %arg1, %mul3A : i32
    %add3A = arith.addi %mul3A_0, %arg0 : i32
    %mul3A_1 = arith.constant 128 : i32
    %mul3A_2 = arith.muli %add3A, %mul3A_1 : i32
    %add3A_3 = arith.constant 0 : i32
    %add3A_4 = arith.addi %mul3A_2, %add3A_3 : i32
    "tpu.region"() ({
      %run_scoped3A = tpu.sem_alloc : memref<!tpu.dma_semaphore, #tpu.memory_space<semaphore_mem>>
      %dma_start3A_81 = tpu.memref_slice %arg3[%add3A_4] : memref<4096xi32, #tpu.memory_space<hbm>> -> memref<32xi32, #tpu.memory_space<hbm>>
      %dma_start3A_82 = tpu.memref_slice %arg3[%add3A_4] : memref<4096xi32, #tpu.memory_space<hbm>> -> memref<32xi32, #tpu.memory_space<hbm>>
      tpu.enqueue_dma source(%dma_start3A_82 : memref<32xi32, #tpu.memory_space<hbm>>) target(%arg5 : memref<32xi32, #tpu.memory_space<vmem>>) target_semaphore(%run_scoped3A : memref<!tpu.dma_semaphore, #tpu.memory_space<semaphore_mem>>)
      %dma_wait3A_83 = tpu.memref_slice %arg3[%add3A_4] : memref<4096xi32, #tpu.memory_space<hbm>> -> memref<32xi32, #tpu.memory_space<hbm>>
      %dma_wait3A_84 = tpu.memref_slice %arg3[%add3A_4] : memref<4096xi32, #tpu.memory_space<hbm>> -> memref<32xi32, #tpu.memory_space<hbm>>
      tpu.wait_dma2 semaphore(%run_scoped3A : memref<!tpu.dma_semaphore, #tpu.memory_space<semaphore_mem>>) src(%dma_wait3A_84 : memref<32xi32, #tpu.memory_space<hbm>>) dst(%arg5 : memref<32xi32, #tpu.memory_space<vmem>>)
      tpu.yield
    }) : () -> ()
    "tpu.region"() ({
      %run_scoped3A = tpu.sem_alloc : memref<!tpu.dma_semaphore, #tpu.memory_space<semaphore_mem>>
      %dma_start3A_81 = arith.constant 0 : i32
      %dma_start3A_82 = tpu.memref_slice %arg2[%add3A_4, %dma_start3A_81] : memref<4096x1024xf32, #tpu.memory_space<hbm>> -> memref<32x1024xf32, #tpu.memory_space<hbm>>
      %dma_start3A_83 = arith.constant 0 : i32
      %dma_start3A_84 = tpu.memref_slice %arg2[%add3A_4, %dma_start3A_83] : memref<4096x1024xf32, #tpu.memory_space<hbm>> -> memref<32x1024xf32, #tpu.memory_space<hbm>>
      tpu.enqueue_dma source(%dma_start3A_84 : memref<32x1024xf32, #tpu.memory_space<hbm>>) target(%arg6 : memref<32x1024xf32, #tpu.memory_space<vmem>>) target_semaphore(%run_scoped3A : memref<!tpu.dma_semaphore, #tpu.memory_space<semaphore_mem>>)
      %dma_wait3A_85 = arith.constant 0 : i32
      %dma_wait3A_86 = tpu.memref_slice %arg2[%add3A_4, %dma_wait3A_85] : memref<4096x1024xf32, #tpu.memory_space<hbm>> -> memref<32x1024xf32, #tpu.memory_space<hbm>>
      %dma_wait3A_87 = arith.constant 0 : i32
      %dma_wait3A_88 = tpu.memref_slice %arg2[%add3A_4, %dma_wait3A_87] : memref<4096x1024xf32, #tpu.memory_space<hbm>> -> memref<32x1024xf32, #tpu.memory_space<hbm>>
      tpu.wait_dma2 semaphore(%run_scoped3A : memref<!tpu.dma_semaphore, #tpu.memory_space<semaphore_mem>>) src(%dma_wait3A_88 : memref<32x1024xf32, #tpu.memory_space<hbm>>) dst(%arg6 : memref<32x1024xf32, #tpu.memory_space<vmem>>)
      tpu.yield
    }) : () -> ()
    %add3A_5 = arith.constant 5128 : i32
    %add3A_6 = arith.addi %add3A_5, %mul3A_2 : i32
    %add3A_7 = arith.constant 0 : i32
    %add3A_8 = arith.addi %add3A_6, %add3A_7 : i32
    %dma_start3A = arith.constant 0 : i32
    %dma_start3A_9 = tpu.memref_slice %arg4[%add3A_8, %dma_start3A] : memref<9224x1024xf32, #tpu.memory_space<hbm>> -> memref<32x1024xf32, #tpu.memory_space<hbm>>
    %dma_start3A_10 = arith.constant 0 : i32
    %dma_start3A_11 = tpu.memref_slice %arg4[%add3A_8, %dma_start3A_10] : memref<9224x1024xf32, #tpu.memory_space<hbm>> -> memref<32x1024xf32, #tpu.memory_space<hbm>>
    tpu.enqueue_dma source(%arg6 : memref<32x1024xf32, #tpu.memory_space<vmem>>) target(%dma_start3A_11 : memref<32x1024xf32, #tpu.memory_space<hbm>>) target_semaphore(%arg8 : memref<!tpu.dma_semaphore, #tpu.memory_space<semaphore_mem>>)
    %dma_start3A_12 = arith.constant 0 : i32
    %dma_start3A_13 = arith.constant 0 : i32
    %dma_start3A_14 = tpu.memref_slice %arg4[%dma_start3A_12, %dma_start3A_13] : memref<9224x1024xf32, #tpu.memory_space<hbm>> -> memref<9224x1024xf32, #tpu.memory_space<hbm>>
    tpu.enqueue_indirect_dma source(%arg6 : memref<32x1024xf32, #tpu.memory_space<vmem>>) target(%dma_start3A_14 : memref<9224x1024xf32, #tpu.memory_space<hbm>>) offsets(%arg5 : memref<32xi32, #tpu.memory_space<vmem>>) semaphore(%arg7 : memref<!tpu.dma_semaphore, #tpu.memory_space<semaphore_mem>>)
    %dma_wait3A = arith.constant 0 : i32
    %dma_wait3A_15 = arith.constant 0 : i32
    %dma_wait3A_16 = tpu.memref_slice %arg4[%dma_wait3A, %dma_wait3A_15] : memref<9224x1024xf32, #tpu.memory_space<hbm>> -> memref<9224x1024xf32, #tpu.memory_space<hbm>>
    tpu.wait_indirect_dma semaphore(%arg7 : memref<!tpu.dma_semaphore, #tpu.memory_space<semaphore_mem>>) src(%arg6 : memref<32x1024xf32, #tpu.memory_space<vmem>>) dst(%dma_wait3A_16 : memref<9224x1024xf32, #tpu.memory_space<hbm>>)
    %dma_wait3A_17 = arith.constant 0 : i32
    %dma_wait3A_18 = tpu.memref_slice %arg4[%add3A_8, %dma_wait3A_17] : memref<9224x1024xf32, #tpu.memory_space<hbm>> -> memref<32x1024xf32, #tpu.memory_space<hbm>>
    %dma_wait3A_19 = arith.constant 0 : i32
    %dma_wait3A_20 = tpu.memref_slice %arg4[%add3A_8, %dma_wait3A_19] : memref<9224x1024xf32, #tpu.memory_space<hbm>> -> memref<32x1024xf32, #tpu.memory_space<hbm>>
    tpu.wait_dma2 semaphore(%arg8 : memref<!tpu.dma_semaphore, #tpu.memory_space<semaphore_mem>>) src(%arg6 : memref<32x1024xf32, #tpu.memory_space<vmem>>) dst(%dma_wait3A_20 : memref<32x1024xf32, #tpu.memory_space<hbm>>)
    %add3A_21 = arith.constant 32 : i32
    %add3A_22 = arith.addi %mul3A_2, %add3A_21 : i32
    "tpu.region"() ({
      %run_scoped3A = tpu.sem_alloc : memref<!tpu.dma_semaphore, #tpu.memory_space<semaphore_mem>>
      %dma_start3A_81 = tpu.memref_slice %arg3[%add3A_22] : memref<4096xi32, #tpu.memory_space<hbm>> -> memref<32xi32, #tpu.memory_space<hbm>>
      %dma_start3A_82 = tpu.memref_slice %arg3[%add3A_22] : memref<4096xi32, #tpu.memory_space<hbm>> -> memref<32xi32, #tpu.memory_space<hbm>>
      tpu.enqueue_dma source(%dma_start3A_82 : memref<32xi32, #tpu.memory_space<hbm>>) target(%arg5 : memref<32xi32, #tpu.memory_space<vmem>>) target_semaphore(%run_scoped3A : memref<!tpu.dma_semaphore, #tpu.memory_space<semaphore_mem>>)
      %dma_wait3A_83 = tpu.memref_slice %arg3[%add3A_22] : memref<4096xi32, #tpu.memory_space<hbm>> -> memref<32xi32, #tpu.memory_space<hbm>>
      %dma_wait3A_84 = tpu.memref_slice %arg3[%add3A_22] : memref<4096xi32, #tpu.memory_space<hbm>> -> memref<32xi32, #tpu.memory_space<hbm>>
      tpu.wait_dma2 semaphore(%run_scoped3A : memref<!tpu.dma_semaphore, #tpu.memory_space<semaphore_mem>>) src(%dma_wait3A_84 : memref<32xi32, #tpu.memory_space<hbm>>) dst(%arg5 : memref<32xi32, #tpu.memory_space<vmem>>)
      tpu.yield
    }) : () -> ()
    "tpu.region"() ({
      %run_scoped3A = tpu.sem_alloc : memref<!tpu.dma_semaphore, #tpu.memory_space<semaphore_mem>>
      %dma_start3A_81 = arith.constant 0 : i32
      %dma_start3A_82 = tpu.memref_slice %arg2[%add3A_22, %dma_start3A_81] : memref<4096x1024xf32, #tpu.memory_space<hbm>> -> memref<32x1024xf32, #tpu.memory_space<hbm>>
      %dma_start3A_83 = arith.constant 0 : i32
      %dma_start3A_84 = tpu.memref_slice %arg2[%add3A_22, %dma_start3A_83] : memref<4096x1024xf32, #tpu.memory_space<hbm>> -> memref<32x1024xf32, #tpu.memory_space<hbm>>
      tpu.enqueue_dma source(%dma_start3A_84 : memref<32x1024xf32, #tpu.memory_space<hbm>>) target(%arg6 : memref<32x1024xf32, #tpu.memory_space<vmem>>) target_semaphore(%run_scoped3A : memref<!tpu.dma_semaphore, #tpu.memory_space<semaphore_mem>>)
      %dma_wait3A_85 = arith.constant 0 : i32
      %dma_wait3A_86 = tpu.memref_slice %arg2[%add3A_22, %dma_wait3A_85] : memref<4096x1024xf32, #tpu.memory_space<hbm>> -> memref<32x1024xf32, #tpu.memory_space<hbm>>
      %dma_wait3A_87 = arith.constant 0 : i32
      %dma_wait3A_88 = tpu.memref_slice %arg2[%add3A_22, %dma_wait3A_87] : memref<4096x1024xf32, #tpu.memory_space<hbm>> -> memref<32x1024xf32, #tpu.memory_space<hbm>>
      tpu.wait_dma2 semaphore(%run_scoped3A : memref<!tpu.dma_semaphore, #tpu.memory_space<semaphore_mem>>) src(%dma_wait3A_88 : memref<32x1024xf32, #tpu.memory_space<hbm>>) dst(%arg6 : memref<32x1024xf32, #tpu.memory_space<vmem>>)
      tpu.yield
    }) : () -> ()
    %add3A_23 = arith.constant 5128 : i32
    %add3A_24 = arith.addi %add3A_23, %mul3A_2 : i32
    %add3A_25 = arith.constant 32 : i32
    %add3A_26 = arith.addi %add3A_24, %add3A_25 : i32
    %dma_start3A_27 = arith.constant 0 : i32
    %dma_start3A_28 = tpu.memref_slice %arg4[%add3A_26, %dma_start3A_27] : memref<9224x1024xf32, #tpu.memory_space<hbm>> -> memref<32x1024xf32, #tpu.memory_space<hbm>>
    %dma_start3A_29 = arith.constant 0 : i32
    %dma_start3A_30 = tpu.memref_slice %arg4[%add3A_26, %dma_start3A_29] : memref<9224x1024xf32, #tpu.memory_space<hbm>> -> memref<32x1024xf32, #tpu.memory_space<hbm>>
    tpu.enqueue_dma source(%arg6 : memref<32x1024xf32, #tpu.memory_space<vmem>>) target(%dma_start3A_30 : memref<32x1024xf32, #tpu.memory_space<hbm>>) target_semaphore(%arg8 : memref<!tpu.dma_semaphore, #tpu.memory_space<semaphore_mem>>)
    %dma_start3A_31 = arith.constant 0 : i32
    %dma_start3A_32 = arith.constant 0 : i32
    %dma_start3A_33 = tpu.memref_slice %arg4[%dma_start3A_31, %dma_start3A_32] : memref<9224x1024xf32, #tpu.memory_space<hbm>> -> memref<9224x1024xf32, #tpu.memory_space<hbm>>
    tpu.enqueue_indirect_dma source(%arg6 : memref<32x1024xf32, #tpu.memory_space<vmem>>) target(%dma_start3A_33 : memref<9224x1024xf32, #tpu.memory_space<hbm>>) offsets(%arg5 : memref<32xi32, #tpu.memory_space<vmem>>) semaphore(%arg7 : memref<!tpu.dma_semaphore, #tpu.memory_space<semaphore_mem>>)
    %dma_wait3A_34 = arith.constant 0 : i32
    %dma_wait3A_35 = arith.constant 0 : i32
    %dma_wait3A_36 = tpu.memref_slice %arg4[%dma_wait3A_34, %dma_wait3A_35] : memref<9224x1024xf32, #tpu.memory_space<hbm>> -> memref<9224x1024xf32, #tpu.memory_space<hbm>>
    tpu.wait_indirect_dma semaphore(%arg7 : memref<!tpu.dma_semaphore, #tpu.memory_space<semaphore_mem>>) src(%arg6 : memref<32x1024xf32, #tpu.memory_space<vmem>>) dst(%dma_wait3A_36 : memref<9224x1024xf32, #tpu.memory_space<hbm>>)
    %dma_wait3A_37 = arith.constant 0 : i32
    %dma_wait3A_38 = tpu.memref_slice %arg4[%add3A_26, %dma_wait3A_37] : memref<9224x1024xf32, #tpu.memory_space<hbm>> -> memref<32x1024xf32, #tpu.memory_space<hbm>>
    %dma_wait3A_39 = arith.constant 0 : i32
    %dma_wait3A_40 = tpu.memref_slice %arg4[%add3A_26, %dma_wait3A_39] : memref<9224x1024xf32, #tpu.memory_space<hbm>> -> memref<32x1024xf32, #tpu.memory_space<hbm>>
    tpu.wait_dma2 semaphore(%arg8 : memref<!tpu.dma_semaphore, #tpu.memory_space<semaphore_mem>>) src(%arg6 : memref<32x1024xf32, #tpu.memory_space<vmem>>) dst(%dma_wait3A_40 : memref<32x1024xf32, #tpu.memory_space<hbm>>)
    %add3A_41 = arith.constant 64 : i32
    %add3A_42 = arith.addi %mul3A_2, %add3A_41 : i32
    "tpu.region"() ({
      %run_scoped3A = tpu.sem_alloc : memref<!tpu.dma_semaphore, #tpu.memory_space<semaphore_mem>>
      %dma_start3A_81 = tpu.memref_slice %arg3[%add3A_42] : memref<4096xi32, #tpu.memory_space<hbm>> -> memref<32xi32, #tpu.memory_space<hbm>>
      %dma_start3A_82 = tpu.memref_slice %arg3[%add3A_42] : memref<4096xi32, #tpu.memory_space<hbm>> -> memref<32xi32, #tpu.memory_space<hbm>>
      tpu.enqueue_dma source(%dma_start3A_82 : memref<32xi32, #tpu.memory_space<hbm>>) target(%arg5 : memref<32xi32, #tpu.memory_space<vmem>>) target_semaphore(%run_scoped3A : memref<!tpu.dma_semaphore, #tpu.memory_space<semaphore_mem>>)
      %dma_wait3A_83 = tpu.memref_slice %arg3[%add3A_42] : memref<4096xi32, #tpu.memory_space<hbm>> -> memref<32xi32, #tpu.memory_space<hbm>>
      %dma_wait3A_84 = tpu.memref_slice %arg3[%add3A_42] : memref<4096xi32, #tpu.memory_space<hbm>> -> memref<32xi32, #tpu.memory_space<hbm>>
      tpu.wait_dma2 semaphore(%run_scoped3A : memref<!tpu.dma_semaphore, #tpu.memory_space<semaphore_mem>>) src(%dma_wait3A_84 : memref<32xi32, #tpu.memory_space<hbm>>) dst(%arg5 : memref<32xi32, #tpu.memory_space<vmem>>)
      tpu.yield
    }) : () -> ()
    "tpu.region"() ({
      %run_scoped3A = tpu.sem_alloc : memref<!tpu.dma_semaphore, #tpu.memory_space<semaphore_mem>>
      %dma_start3A_81 = arith.constant 0 : i32
      %dma_start3A_82 = tpu.memref_slice %arg2[%add3A_42, %dma_start3A_81] : memref<4096x1024xf32, #tpu.memory_space<hbm>> -> memref<32x1024xf32, #tpu.memory_space<hbm>>
      %dma_start3A_83 = arith.constant 0 : i32
      %dma_start3A_84 = tpu.memref_slice %arg2[%add3A_42, %dma_start3A_83] : memref<4096x1024xf32, #tpu.memory_space<hbm>> -> memref<32x1024xf32, #tpu.memory_space<hbm>>
      tpu.enqueue_dma source(%dma_start3A_84 : memref<32x1024xf32, #tpu.memory_space<hbm>>) target(%arg6 : memref<32x1024xf32, #tpu.memory_space<vmem>>) target_semaphore(%run_scoped3A : memref<!tpu.dma_semaphore, #tpu.memory_space<semaphore_mem>>)
      %dma_wait3A_85 = arith.constant 0 : i32
      %dma_wait3A_86 = tpu.memref_slice %arg2[%add3A_42, %dma_wait3A_85] : memref<4096x1024xf32, #tpu.memory_space<hbm>> -> memref<32x1024xf32, #tpu.memory_space<hbm>>
      %dma_wait3A_87 = arith.constant 0 : i32
      %dma_wait3A_88 = tpu.memref_slice %arg2[%add3A_42, %dma_wait3A_87] : memref<4096x1024xf32, #tpu.memory_space<hbm>> -> memref<32x1024xf32, #tpu.memory_space<hbm>>
      tpu.wait_dma2 semaphore(%run_scoped3A : memref<!tpu.dma_semaphore, #tpu.memory_space<semaphore_mem>>) src(%dma_wait3A_88 : memref<32x1024xf32, #tpu.memory_space<hbm>>) dst(%arg6 : memref<32x1024xf32, #tpu.memory_space<vmem>>)
      tpu.yield
    }) : () -> ()
    %add3A_43 = arith.constant 5128 : i32
    %add3A_44 = arith.addi %add3A_43, %mul3A_2 : i32
    %add3A_45 = arith.constant 64 : i32
    %add3A_46 = arith.addi %add3A_44, %add3A_45 : i32
    %dma_start3A_47 = arith.constant 0 : i32
    %dma_start3A_48 = tpu.memref_slice %arg4[%add3A_46, %dma_start3A_47] : memref<9224x1024xf32, #tpu.memory_space<hbm>> -> memref<32x1024xf32, #tpu.memory_space<hbm>>
    %dma_start3A_49 = arith.constant 0 : i32
    %dma_start3A_50 = tpu.memref_slice %arg4[%add3A_46, %dma_start3A_49] : memref<9224x1024xf32, #tpu.memory_space<hbm>> -> memref<32x1024xf32, #tpu.memory_space<hbm>>
    tpu.enqueue_dma source(%arg6 : memref<32x1024xf32, #tpu.memory_space<vmem>>) target(%dma_start3A_50 : memref<32x1024xf32, #tpu.memory_space<hbm>>) target_semaphore(%arg8 : memref<!tpu.dma_semaphore, #tpu.memory_space<semaphore_mem>>)
    %dma_start3A_51 = arith.constant 0 : i32
    %dma_start3A_52 = arith.constant 0 : i32
    %dma_start3A_53 = tpu.memref_slice %arg4[%dma_start3A_51, %dma_start3A_52] : memref<9224x1024xf32, #tpu.memory_space<hbm>> -> memref<9224x1024xf32, #tpu.memory_space<hbm>>
    tpu.enqueue_indirect_dma source(%arg6 : memref<32x1024xf32, #tpu.memory_space<vmem>>) target(%dma_start3A_53 : memref<9224x1024xf32, #tpu.memory_space<hbm>>) offsets(%arg5 : memref<32xi32, #tpu.memory_space<vmem>>) semaphore(%arg7 : memref<!tpu.dma_semaphore, #tpu.memory_space<semaphore_mem>>)
    %dma_wait3A_54 = arith.constant 0 : i32
    %dma_wait3A_55 = arith.constant 0 : i32
    %dma_wait3A_56 = tpu.memref_slice %arg4[%dma_wait3A_54, %dma_wait3A_55] : memref<9224x1024xf32, #tpu.memory_space<hbm>> -> memref<9224x1024xf32, #tpu.memory_space<hbm>>
    tpu.wait_indirect_dma semaphore(%arg7 : memref<!tpu.dma_semaphore, #tpu.memory_space<semaphore_mem>>) src(%arg6 : memref<32x1024xf32, #tpu.memory_space<vmem>>) dst(%dma_wait3A_56 : memref<9224x1024xf32, #tpu.memory_space<hbm>>)
    %dma_wait3A_57 = arith.constant 0 : i32
    %dma_wait3A_58 = tpu.memref_slice %arg4[%add3A_46, %dma_wait3A_57] : memref<9224x1024xf32, #tpu.memory_space<hbm>> -> memref<32x1024xf32, #tpu.memory_space<hbm>>
    %dma_wait3A_59 = arith.constant 0 : i32
    %dma_wait3A_60 = tpu.memref_slice %arg4[%add3A_46, %dma_wait3A_59] : memref<9224x1024xf32, #tpu.memory_space<hbm>> -> memref<32x1024xf32, #tpu.memory_space<hbm>>
    tpu.wait_dma2 semaphore(%arg8 : memref<!tpu.dma_semaphore, #tpu.memory_space<semaphore_mem>>) src(%arg6 : memref<32x1024xf32, #tpu.memory_space<vmem>>) dst(%dma_wait3A_60 : memref<32x1024xf32, #tpu.memory_space<hbm>>)
    %add3A_61 = arith.constant 96 : i32
    %add3A_62 = arith.addi %mul3A_2, %add3A_61 : i32
    "tpu.region"() ({
      %run_scoped3A = tpu.sem_alloc : memref<!tpu.dma_semaphore, #tpu.memory_space<semaphore_mem>>
      %dma_start3A_81 = tpu.memref_slice %arg3[%add3A_62] : memref<4096xi32, #tpu.memory_space<hbm>> -> memref<32xi32, #tpu.memory_space<hbm>>
      %dma_start3A_82 = tpu.memref_slice %arg3[%add3A_62] : memref<4096xi32, #tpu.memory_space<hbm>> -> memref<32xi32, #tpu.memory_space<hbm>>
      tpu.enqueue_dma source(%dma_start3A_82 : memref<32xi32, #tpu.memory_space<hbm>>) target(%arg5 : memref<32xi32, #tpu.memory_space<vmem>>) target_semaphore(%run_scoped3A : memref<!tpu.dma_semaphore, #tpu.memory_space<semaphore_mem>>)
      %dma_wait3A_83 = tpu.memref_slice %arg3[%add3A_62] : memref<4096xi32, #tpu.memory_space<hbm>> -> memref<32xi32, #tpu.memory_space<hbm>>
      %dma_wait3A_84 = tpu.memref_slice %arg3[%add3A_62] : memref<4096xi32, #tpu.memory_space<hbm>> -> memref<32xi32, #tpu.memory_space<hbm>>
      tpu.wait_dma2 semaphore(%run_scoped3A : memref<!tpu.dma_semaphore, #tpu.memory_space<semaphore_mem>>) src(%dma_wait3A_84 : memref<32xi32, #tpu.memory_space<hbm>>) dst(%arg5 : memref<32xi32, #tpu.memory_space<vmem>>)
      tpu.yield
    }) : () -> ()
    "tpu.region"() ({
      %run_scoped3A = tpu.sem_alloc : memref<!tpu.dma_semaphore, #tpu.memory_space<semaphore_mem>>
      %dma_start3A_81 = arith.constant 0 : i32
      %dma_start3A_82 = tpu.memref_slice %arg2[%add3A_62, %dma_start3A_81] : memref<4096x1024xf32, #tpu.memory_space<hbm>> -> memref<32x1024xf32, #tpu.memory_space<hbm>>
      %dma_start3A_83 = arith.constant 0 : i32
      %dma_start3A_84 = tpu.memref_slice %arg2[%add3A_62, %dma_start3A_83] : memref<4096x1024xf32, #tpu.memory_space<hbm>> -> memref<32x1024xf32, #tpu.memory_space<hbm>>
      tpu.enqueue_dma source(%dma_start3A_84 : memref<32x1024xf32, #tpu.memory_space<hbm>>) target(%arg6 : memref<32x1024xf32, #tpu.memory_space<vmem>>) target_semaphore(%run_scoped3A : memref<!tpu.dma_semaphore, #tpu.memory_space<semaphore_mem>>)
      %dma_wait3A_85 = arith.constant 0 : i32
      %dma_wait3A_86 = tpu.memref_slice %arg2[%add3A_62, %dma_wait3A_85] : memref<4096x1024xf32, #tpu.memory_space<hbm>> -> memref<32x1024xf32, #tpu.memory_space<hbm>>
      %dma_wait3A_87 = arith.constant 0 : i32
      %dma_wait3A_88 = tpu.memref_slice %arg2[%add3A_62, %dma_wait3A_87] : memref<4096x1024xf32, #tpu.memory_space<hbm>> -> memref<32x1024xf32, #tpu.memory_space<hbm>>
      tpu.wait_dma2 semaphore(%run_scoped3A : memref<!tpu.dma_semaphore, #tpu.memory_space<semaphore_mem>>) src(%dma_wait3A_88 : memref<32x1024xf32, #tpu.memory_space<hbm>>) dst(%arg6 : memref<32x1024xf32, #tpu.memory_space<vmem>>)
      tpu.yield
    }) : () -> ()
    %add3A_63 = arith.constant 5128 : i32
    %add3A_64 = arith.addi %add3A_63, %mul3A_2 : i32
    %add3A_65 = arith.constant 96 : i32
    %add3A_66 = arith.addi %add3A_64, %add3A_65 : i32
    %dma_start3A_67 = arith.constant 0 : i32
    %dma_start3A_68 = tpu.memref_slice %arg4[%add3A_66, %dma_start3A_67] : memref<9224x1024xf32, #tpu.memory_space<hbm>> -> memref<32x1024xf32, #tpu.memory_space<hbm>>
    %dma_start3A_69 = arith.constant 0 : i32
    %dma_start3A_70 = tpu.memref_slice %arg4[%add3A_66, %dma_start3A_69] : memref<9224x1024xf32, #tpu.memory_space<hbm>> -> memref<32x1024xf32, #tpu.memory_space<hbm>>
    tpu.enqueue_dma source(%arg6 : memref<32x1024xf32, #tpu.memory_space<vmem>>) target(%dma_start3A_70 : memref<32x1024xf32, #tpu.memory_space<hbm>>) target_semaphore(%arg8 : memref<!tpu.dma_semaphore, #tpu.memory_space<semaphore_mem>>)
    %dma_start3A_71 = arith.constant 0 : i32
    %dma_start3A_72 = arith.constant 0 : i32
    %dma_start3A_73 = tpu.memref_slice %arg4[%dma_start3A_71, %dma_start3A_72] : memref<9224x1024xf32, #tpu.memory_space<hbm>> -> memref<9224x1024xf32, #tpu.memory_space<hbm>>
    tpu.enqueue_indirect_dma source(%arg6 : memref<32x1024xf32, #tpu.memory_space<vmem>>) target(%dma_start3A_73 : memref<9224x1024xf32, #tpu.memory_space<hbm>>) offsets(%arg5 : memref<32xi32, #tpu.memory_space<vmem>>) semaphore(%arg7 : memref<!tpu.dma_semaphore, #tpu.memory_space<semaphore_mem>>)
    %dma_wait3A_74 = arith.constant 0 : i32
    %dma_wait3A_75 = arith.constant 0 : i32
    %dma_wait3A_76 = tpu.memref_slice %arg4[%dma_wait3A_74, %dma_wait3A_75] : memref<9224x1024xf32, #tpu.memory_space<hbm>> -> memref<9224x1024xf32, #tpu.memory_space<hbm>>
    tpu.wait_indirect_dma semaphore(%arg7 : memref<!tpu.dma_semaphore, #tpu.memory_space<semaphore_mem>>) src(%arg6 : memref<32x1024xf32, #tpu.memory_space<vmem>>) dst(%dma_wait3A_76 : memref<9224x1024xf32, #tpu.memory_space<hbm>>)
    %dma_wait3A_77 = arith.constant 0 : i32
    %dma_wait3A_78 = tpu.memref_slice %arg4[%add3A_66, %dma_wait3A_77] : memref<9224x1024xf32, #tpu.memory_space<hbm>> -> memref<32x1024xf32, #tpu.memory_space<hbm>>
    %dma_wait3A_79 = arith.constant 0 : i32
    %dma_wait3A_80 = tpu.memref_slice %arg4[%add3A_66, %dma_wait3A_79] : memref<9224x1024xf32, #tpu.memory_space<hbm>> -> memref<32x1024xf32, #tpu.memory_space<hbm>>
    tpu.wait_dma2 semaphore(%arg8 : memref<!tpu.dma_semaphore, #tpu.memory_space<semaphore_mem>>) src(%arg6 : memref<32x1024xf32, #tpu.memory_space<vmem>>) dst(%dma_wait3A_80 : memref<32x1024xf32, #tpu.memory_space<hbm>>)
    return
  }
}

#map = affine_map<(d0, d1) -> (0, 0)>
#map1 = affine_map<(d0, d1) -> (0)>
module attributes {stable_mosaic.version = 14 : i64} {
  func.func @_sc_gather(%arg0: i32, %arg1: i32, %arg2: memref<9224x1024xf32, #tpu.memory_space<hbm>>, %arg3: memref<4096xi32, #tpu.memory_space<hbm>>, %arg4: memref<4096x1024xf32, #tpu.memory_space<hbm>>, %arg5: memref<32xi32, #tpu.memory_space<vmem>>, %arg6: memref<32x1024xf32, #tpu.memory_space<vmem>>, %arg7: memref<!tpu.dma_semaphore, #tpu.memory_space<semaphore_mem>>) attributes {dimension_semantics = [#tpu.dimension_semantics<core_parallel>, #tpu.dimension_semantics<subcore_parallel>], iteration_bounds = array<i64: 2, 16>, scalar_prefetch = 0 : i64, scratch_operands = 3 : i64, tpu.core_type = #tpu.core_type<sc_vector_subcore>, window_params = [{transform_indices = #map}, {transform_indices = #map1}, {transform_indices = #map}]} {
    %mul3A = arith.constant 2 : i32
    %mul3A_0 = arith.muli %arg1, %mul3A : i32
    %add3A = arith.addi %mul3A_0, %arg0 : i32
    %mul3A_1 = arith.constant 128 : i32
    %mul3A_2 = arith.muli %add3A, %mul3A_1 : i32
    %add3A_3 = arith.constant 0 : i32
    %add3A_4 = arith.addi %mul3A_2, %add3A_3 : i32
    "tpu.region"() ({
      %run_scoped3A = tpu.sem_alloc : memref<!tpu.dma_semaphore, #tpu.memory_space<semaphore_mem>>
      %dma_start3A_33 = tpu.memref_slice %arg3[%add3A_4] : memref<4096xi32, #tpu.memory_space<hbm>> -> memref<32xi32, #tpu.memory_space<hbm>>
      %dma_start3A_34 = tpu.memref_slice %arg3[%add3A_4] : memref<4096xi32, #tpu.memory_space<hbm>> -> memref<32xi32, #tpu.memory_space<hbm>>
      tpu.enqueue_dma source(%dma_start3A_34 : memref<32xi32, #tpu.memory_space<hbm>>) target(%arg5 : memref<32xi32, #tpu.memory_space<vmem>>) target_semaphore(%run_scoped3A : memref<!tpu.dma_semaphore, #tpu.memory_space<semaphore_mem>>)
      %dma_wait3A_35 = tpu.memref_slice %arg3[%add3A_4] : memref<4096xi32, #tpu.memory_space<hbm>> -> memref<32xi32, #tpu.memory_space<hbm>>
      %dma_wait3A_36 = tpu.memref_slice %arg3[%add3A_4] : memref<4096xi32, #tpu.memory_space<hbm>> -> memref<32xi32, #tpu.memory_space<hbm>>
      tpu.wait_dma2 semaphore(%run_scoped3A : memref<!tpu.dma_semaphore, #tpu.memory_space<semaphore_mem>>) src(%dma_wait3A_36 : memref<32xi32, #tpu.memory_space<hbm>>) dst(%arg5 : memref<32xi32, #tpu.memory_space<vmem>>)
      tpu.yield
    }) : () -> ()
    %dma_start3A = arith.constant 0 : i32
    %dma_start3A_5 = arith.constant 0 : i32
    %dma_start3A_6 = tpu.memref_slice %arg2[%dma_start3A, %dma_start3A_5] : memref<9224x1024xf32, #tpu.memory_space<hbm>> -> memref<9224x1024xf32, #tpu.memory_space<hbm>>
    tpu.enqueue_indirect_dma source(%dma_start3A_6 : memref<9224x1024xf32, #tpu.memory_space<hbm>>) target(%arg6 : memref<32x1024xf32, #tpu.memory_space<vmem>>) offsets(%arg5 : memref<32xi32, #tpu.memory_space<vmem>>) semaphore(%arg7 : memref<!tpu.dma_semaphore, #tpu.memory_space<semaphore_mem>>)
    %dma_wait3A = arith.constant 0 : i32
    %dma_wait3A_7 = arith.constant 0 : i32
    %dma_wait3A_8 = tpu.memref_slice %arg2[%dma_wait3A, %dma_wait3A_7] : memref<9224x1024xf32, #tpu.memory_space<hbm>> -> memref<9224x1024xf32, #tpu.memory_space<hbm>>
    tpu.wait_indirect_dma semaphore(%arg7 : memref<!tpu.dma_semaphore, #tpu.memory_space<semaphore_mem>>) src(%dma_wait3A_8 : memref<9224x1024xf32, #tpu.memory_space<hbm>>) dst(%arg6 : memref<32x1024xf32, #tpu.memory_space<vmem>>)
    "tpu.region"() ({
      %run_scoped3A = tpu.sem_alloc : memref<!tpu.dma_semaphore, #tpu.memory_space<semaphore_mem>>
      %dma_start3A_33 = arith.constant 0 : i32
      %dma_start3A_34 = tpu.memref_slice %arg4[%add3A_4, %dma_start3A_33] : memref<4096x1024xf32, #tpu.memory_space<hbm>> -> memref<32x1024xf32, #tpu.memory_space<hbm>>
      %dma_start3A_35 = arith.constant 0 : i32
      %dma_start3A_36 = tpu.memref_slice %arg4[%add3A_4, %dma_start3A_35] : memref<4096x1024xf32, #tpu.memory_space<hbm>> -> memref<32x1024xf32, #tpu.memory_space<hbm>>
      tpu.enqueue_dma source(%arg6 : memref<32x1024xf32, #tpu.memory_space<vmem>>) target(%dma_start3A_36 : memref<32x1024xf32, #tpu.memory_space<hbm>>) target_semaphore(%run_scoped3A : memref<!tpu.dma_semaphore, #tpu.memory_space<semaphore_mem>>)
      %dma_wait3A_37 = arith.constant 0 : i32
      %dma_wait3A_38 = tpu.memref_slice %arg4[%add3A_4, %dma_wait3A_37] : memref<4096x1024xf32, #tpu.memory_space<hbm>> -> memref<32x1024xf32, #tpu.memory_space<hbm>>
      %dma_wait3A_39 = arith.constant 0 : i32
      %dma_wait3A_40 = tpu.memref_slice %arg4[%add3A_4, %dma_wait3A_39] : memref<4096x1024xf32, #tpu.memory_space<hbm>> -> memref<32x1024xf32, #tpu.memory_space<hbm>>
      tpu.wait_dma2 semaphore(%run_scoped3A : memref<!tpu.dma_semaphore, #tpu.memory_space<semaphore_mem>>) src(%arg6 : memref<32x1024xf32, #tpu.memory_space<vmem>>) dst(%dma_wait3A_40 : memref<32x1024xf32, #tpu.memory_space<hbm>>)
      tpu.yield
    }) : () -> ()
    %add3A_9 = arith.constant 32 : i32
    %add3A_10 = arith.addi %mul3A_2, %add3A_9 : i32
    "tpu.region"() ({
      %run_scoped3A = tpu.sem_alloc : memref<!tpu.dma_semaphore, #tpu.memory_space<semaphore_mem>>
      %dma_start3A_33 = tpu.memref_slice %arg3[%add3A_10] : memref<4096xi32, #tpu.memory_space<hbm>> -> memref<32xi32, #tpu.memory_space<hbm>>
      %dma_start3A_34 = tpu.memref_slice %arg3[%add3A_10] : memref<4096xi32, #tpu.memory_space<hbm>> -> memref<32xi32, #tpu.memory_space<hbm>>
      tpu.enqueue_dma source(%dma_start3A_34 : memref<32xi32, #tpu.memory_space<hbm>>) target(%arg5 : memref<32xi32, #tpu.memory_space<vmem>>) target_semaphore(%run_scoped3A : memref<!tpu.dma_semaphore, #tpu.memory_space<semaphore_mem>>)
      %dma_wait3A_35 = tpu.memref_slice %arg3[%add3A_10] : memref<4096xi32, #tpu.memory_space<hbm>> -> memref<32xi32, #tpu.memory_space<hbm>>
      %dma_wait3A_36 = tpu.memref_slice %arg3[%add3A_10] : memref<4096xi32, #tpu.memory_space<hbm>> -> memref<32xi32, #tpu.memory_space<hbm>>
      tpu.wait_dma2 semaphore(%run_scoped3A : memref<!tpu.dma_semaphore, #tpu.memory_space<semaphore_mem>>) src(%dma_wait3A_36 : memref<32xi32, #tpu.memory_space<hbm>>) dst(%arg5 : memref<32xi32, #tpu.memory_space<vmem>>)
      tpu.yield
    }) : () -> ()
    %dma_start3A_11 = arith.constant 0 : i32
    %dma_start3A_12 = arith.constant 0 : i32
    %dma_start3A_13 = tpu.memref_slice %arg2[%dma_start3A_11, %dma_start3A_12] : memref<9224x1024xf32, #tpu.memory_space<hbm>> -> memref<9224x1024xf32, #tpu.memory_space<hbm>>
    tpu.enqueue_indirect_dma source(%dma_start3A_13 : memref<9224x1024xf32, #tpu.memory_space<hbm>>) target(%arg6 : memref<32x1024xf32, #tpu.memory_space<vmem>>) offsets(%arg5 : memref<32xi32, #tpu.memory_space<vmem>>) semaphore(%arg7 : memref<!tpu.dma_semaphore, #tpu.memory_space<semaphore_mem>>)
    %dma_wait3A_14 = arith.constant 0 : i32
    %dma_wait3A_15 = arith.constant 0 : i32
    %dma_wait3A_16 = tpu.memref_slice %arg2[%dma_wait3A_14, %dma_wait3A_15] : memref<9224x1024xf32, #tpu.memory_space<hbm>> -> memref<9224x1024xf32, #tpu.memory_space<hbm>>
    tpu.wait_indirect_dma semaphore(%arg7 : memref<!tpu.dma_semaphore, #tpu.memory_space<semaphore_mem>>) src(%dma_wait3A_16 : memref<9224x1024xf32, #tpu.memory_space<hbm>>) dst(%arg6 : memref<32x1024xf32, #tpu.memory_space<vmem>>)
    "tpu.region"() ({
      %run_scoped3A = tpu.sem_alloc : memref<!tpu.dma_semaphore, #tpu.memory_space<semaphore_mem>>
      %dma_start3A_33 = arith.constant 0 : i32
      %dma_start3A_34 = tpu.memref_slice %arg4[%add3A_10, %dma_start3A_33] : memref<4096x1024xf32, #tpu.memory_space<hbm>> -> memref<32x1024xf32, #tpu.memory_space<hbm>>
      %dma_start3A_35 = arith.constant 0 : i32
      %dma_start3A_36 = tpu.memref_slice %arg4[%add3A_10, %dma_start3A_35] : memref<4096x1024xf32, #tpu.memory_space<hbm>> -> memref<32x1024xf32, #tpu.memory_space<hbm>>
      tpu.enqueue_dma source(%arg6 : memref<32x1024xf32, #tpu.memory_space<vmem>>) target(%dma_start3A_36 : memref<32x1024xf32, #tpu.memory_space<hbm>>) target_semaphore(%run_scoped3A : memref<!tpu.dma_semaphore, #tpu.memory_space<semaphore_mem>>)
      %dma_wait3A_37 = arith.constant 0 : i32
      %dma_wait3A_38 = tpu.memref_slice %arg4[%add3A_10, %dma_wait3A_37] : memref<4096x1024xf32, #tpu.memory_space<hbm>> -> memref<32x1024xf32, #tpu.memory_space<hbm>>
      %dma_wait3A_39 = arith.constant 0 : i32
      %dma_wait3A_40 = tpu.memref_slice %arg4[%add3A_10, %dma_wait3A_39] : memref<4096x1024xf32, #tpu.memory_space<hbm>> -> memref<32x1024xf32, #tpu.memory_space<hbm>>
      tpu.wait_dma2 semaphore(%run_scoped3A : memref<!tpu.dma_semaphore, #tpu.memory_space<semaphore_mem>>) src(%arg6 : memref<32x1024xf32, #tpu.memory_space<vmem>>) dst(%dma_wait3A_40 : memref<32x1024xf32, #tpu.memory_space<hbm>>)
      tpu.yield
    }) : () -> ()
    %add3A_17 = arith.constant 64 : i32
    %add3A_18 = arith.addi %mul3A_2, %add3A_17 : i32
    "tpu.region"() ({
      %run_scoped3A = tpu.sem_alloc : memref<!tpu.dma_semaphore, #tpu.memory_space<semaphore_mem>>
      %dma_start3A_33 = tpu.memref_slice %arg3[%add3A_18] : memref<4096xi32, #tpu.memory_space<hbm>> -> memref<32xi32, #tpu.memory_space<hbm>>
      %dma_start3A_34 = tpu.memref_slice %arg3[%add3A_18] : memref<4096xi32, #tpu.memory_space<hbm>> -> memref<32xi32, #tpu.memory_space<hbm>>
      tpu.enqueue_dma source(%dma_start3A_34 : memref<32xi32, #tpu.memory_space<hbm>>) target(%arg5 : memref<32xi32, #tpu.memory_space<vmem>>) target_semaphore(%run_scoped3A : memref<!tpu.dma_semaphore, #tpu.memory_space<semaphore_mem>>)
      %dma_wait3A_35 = tpu.memref_slice %arg3[%add3A_18] : memref<4096xi32, #tpu.memory_space<hbm>> -> memref<32xi32, #tpu.memory_space<hbm>>
      %dma_wait3A_36 = tpu.memref_slice %arg3[%add3A_18] : memref<4096xi32, #tpu.memory_space<hbm>> -> memref<32xi32, #tpu.memory_space<hbm>>
      tpu.wait_dma2 semaphore(%run_scoped3A : memref<!tpu.dma_semaphore, #tpu.memory_space<semaphore_mem>>) src(%dma_wait3A_36 : memref<32xi32, #tpu.memory_space<hbm>>) dst(%arg5 : memref<32xi32, #tpu.memory_space<vmem>>)
      tpu.yield
    }) : () -> ()
    %dma_start3A_19 = arith.constant 0 : i32
    %dma_start3A_20 = arith.constant 0 : i32
    %dma_start3A_21 = tpu.memref_slice %arg2[%dma_start3A_19, %dma_start3A_20] : memref<9224x1024xf32, #tpu.memory_space<hbm>> -> memref<9224x1024xf32, #tpu.memory_space<hbm>>
    tpu.enqueue_indirect_dma source(%dma_start3A_21 : memref<9224x1024xf32, #tpu.memory_space<hbm>>) target(%arg6 : memref<32x1024xf32, #tpu.memory_space<vmem>>) offsets(%arg5 : memref<32xi32, #tpu.memory_space<vmem>>) semaphore(%arg7 : memref<!tpu.dma_semaphore, #tpu.memory_space<semaphore_mem>>)
    %dma_wait3A_22 = arith.constant 0 : i32
    %dma_wait3A_23 = arith.constant 0 : i32
    %dma_wait3A_24 = tpu.memref_slice %arg2[%dma_wait3A_22, %dma_wait3A_23] : memref<9224x1024xf32, #tpu.memory_space<hbm>> -> memref<9224x1024xf32, #tpu.memory_space<hbm>>
    tpu.wait_indirect_dma semaphore(%arg7 : memref<!tpu.dma_semaphore, #tpu.memory_space<semaphore_mem>>) src(%dma_wait3A_24 : memref<9224x1024xf32, #tpu.memory_space<hbm>>) dst(%arg6 : memref<32x1024xf32, #tpu.memory_space<vmem>>)
    "tpu.region"() ({
      %run_scoped3A = tpu.sem_alloc : memref<!tpu.dma_semaphore, #tpu.memory_space<semaphore_mem>>
      %dma_start3A_33 = arith.constant 0 : i32
      %dma_start3A_34 = tpu.memref_slice %arg4[%add3A_18, %dma_start3A_33] : memref<4096x1024xf32, #tpu.memory_space<hbm>> -> memref<32x1024xf32, #tpu.memory_space<hbm>>
      %dma_start3A_35 = arith.constant 0 : i32
      %dma_start3A_36 = tpu.memref_slice %arg4[%add3A_18, %dma_start3A_35] : memref<4096x1024xf32, #tpu.memory_space<hbm>> -> memref<32x1024xf32, #tpu.memory_space<hbm>>
      tpu.enqueue_dma source(%arg6 : memref<32x1024xf32, #tpu.memory_space<vmem>>) target(%dma_start3A_36 : memref<32x1024xf32, #tpu.memory_space<hbm>>) target_semaphore(%run_scoped3A : memref<!tpu.dma_semaphore, #tpu.memory_space<semaphore_mem>>)
      %dma_wait3A_37 = arith.constant 0 : i32
      %dma_wait3A_38 = tpu.memref_slice %arg4[%add3A_18, %dma_wait3A_37] : memref<4096x1024xf32, #tpu.memory_space<hbm>> -> memref<32x1024xf32, #tpu.memory_space<hbm>>
      %dma_wait3A_39 = arith.constant 0 : i32
      %dma_wait3A_40 = tpu.memref_slice %arg4[%add3A_18, %dma_wait3A_39] : memref<4096x1024xf32, #tpu.memory_space<hbm>> -> memref<32x1024xf32, #tpu.memory_space<hbm>>
      tpu.wait_dma2 semaphore(%run_scoped3A : memref<!tpu.dma_semaphore, #tpu.memory_space<semaphore_mem>>) src(%arg6 : memref<32x1024xf32, #tpu.memory_space<vmem>>) dst(%dma_wait3A_40 : memref<32x1024xf32, #tpu.memory_space<hbm>>)
      tpu.yield
    }) : () -> ()
    %add3A_25 = arith.constant 96 : i32
    %add3A_26 = arith.addi %mul3A_2, %add3A_25 : i32
    "tpu.region"() ({
      %run_scoped3A = tpu.sem_alloc : memref<!tpu.dma_semaphore, #tpu.memory_space<semaphore_mem>>
      %dma_start3A_33 = tpu.memref_slice %arg3[%add3A_26] : memref<4096xi32, #tpu.memory_space<hbm>> -> memref<32xi32, #tpu.memory_space<hbm>>
      %dma_start3A_34 = tpu.memref_slice %arg3[%add3A_26] : memref<4096xi32, #tpu.memory_space<hbm>> -> memref<32xi32, #tpu.memory_space<hbm>>
      tpu.enqueue_dma source(%dma_start3A_34 : memref<32xi32, #tpu.memory_space<hbm>>) target(%arg5 : memref<32xi32, #tpu.memory_space<vmem>>) target_semaphore(%run_scoped3A : memref<!tpu.dma_semaphore, #tpu.memory_space<semaphore_mem>>)
      %dma_wait3A_35 = tpu.memref_slice %arg3[%add3A_26] : memref<4096xi32, #tpu.memory_space<hbm>> -> memref<32xi32, #tpu.memory_space<hbm>>
      %dma_wait3A_36 = tpu.memref_slice %arg3[%add3A_26] : memref<4096xi32, #tpu.memory_space<hbm>> -> memref<32xi32, #tpu.memory_space<hbm>>
      tpu.wait_dma2 semaphore(%run_scoped3A : memref<!tpu.dma_semaphore, #tpu.memory_space<semaphore_mem>>) src(%dma_wait3A_36 : memref<32xi32, #tpu.memory_space<hbm>>) dst(%arg5 : memref<32xi32, #tpu.memory_space<vmem>>)
      tpu.yield
    }) : () -> ()
    %dma_start3A_27 = arith.constant 0 : i32
    %dma_start3A_28 = arith.constant 0 : i32
    %dma_start3A_29 = tpu.memref_slice %arg2[%dma_start3A_27, %dma_start3A_28] : memref<9224x1024xf32, #tpu.memory_space<hbm>> -> memref<9224x1024xf32, #tpu.memory_space<hbm>>
    tpu.enqueue_indirect_dma source(%dma_start3A_29 : memref<9224x1024xf32, #tpu.memory_space<hbm>>) target(%arg6 : memref<32x1024xf32, #tpu.memory_space<vmem>>) offsets(%arg5 : memref<32xi32, #tpu.memory_space<vmem>>) semaphore(%arg7 : memref<!tpu.dma_semaphore, #tpu.memory_space<semaphore_mem>>)
    %dma_wait3A_30 = arith.constant 0 : i32
    %dma_wait3A_31 = arith.constant 0 : i32
    %dma_wait3A_32 = tpu.memref_slice %arg2[%dma_wait3A_30, %dma_wait3A_31] : memref<9224x1024xf32, #tpu.memory_space<hbm>> -> memref<9224x1024xf32, #tpu.memory_space<hbm>>
    tpu.wait_indirect_dma semaphore(%arg7 : memref<!tpu.dma_semaphore, #tpu.memory_space<semaphore_mem>>) src(%dma_wait3A_32 : memref<9224x1024xf32, #tpu.memory_space<hbm>>) dst(%arg6 : memref<32x1024xf32, #tpu.memory_space<vmem>>)
    "tpu.region"() ({
      %run_scoped3A = tpu.sem_alloc : memref<!tpu.dma_semaphore, #tpu.memory_space<semaphore_mem>>
      %dma_start3A_33 = arith.constant 0 : i32
      %dma_start3A_34 = tpu.memref_slice %arg4[%add3A_26, %dma_start3A_33] : memref<4096x1024xf32, #tpu.memory_space<hbm>> -> memref<32x1024xf32, #tpu.memory_space<hbm>>
      %dma_start3A_35 = arith.constant 0 : i32
      %dma_start3A_36 = tpu.memref_slice %arg4[%add3A_26, %dma_start3A_35] : memref<4096x1024xf32, #tpu.memory_space<hbm>> -> memref<32x1024xf32, #tpu.memory_space<hbm>>
      tpu.enqueue_dma source(%arg6 : memref<32x1024xf32, #tpu.memory_space<vmem>>) target(%dma_start3A_36 : memref<32x1024xf32, #tpu.memory_space<hbm>>) target_semaphore(%run_scoped3A : memref<!tpu.dma_semaphore, #tpu.memory_space<semaphore_mem>>)
      %dma_wait3A_37 = arith.constant 0 : i32
      %dma_wait3A_38 = tpu.memref_slice %arg4[%add3A_26, %dma_wait3A_37] : memref<4096x1024xf32, #tpu.memory_space<hbm>> -> memref<32x1024xf32, #tpu.memory_space<hbm>>
      %dma_wait3A_39 = arith.constant 0 : i32
      %dma_wait3A_40 = tpu.memref_slice %arg4[%add3A_26, %dma_wait3A_39] : memref<4096x1024xf32, #tpu.memory_space<hbm>> -> memref<32x1024xf32, #tpu.memory_space<hbm>>
      tpu.wait_dma2 semaphore(%run_scoped3A : memref<!tpu.dma_semaphore, #tpu.memory_space<semaphore_mem>>) src(%arg6 : memref<32x1024xf32, #tpu.memory_space<vmem>>) dst(%dma_wait3A_40 : memref<32x1024xf32, #tpu.memory_space<hbm>>)
      tpu.yield
    }) : () -> ()
    return
  }
}

module attributes {stable_mosaic.version = 14 : i64} {
  func.func @_gate_body(%arg0: i32, %arg1: memref<1024x1024xf32, #tpu.memory_space<vmem>>, %arg2: memref<8x1024xf32, #tpu.memory_space<vmem>>, %arg3: memref<1x1024xf32, #tpu.memory_space<vmem>>, %arg4: memref<1x1024xi32, #tpu.memory_space<vmem>>) attributes {dimension_semantics = [#tpu.dimension_semantics<arbitrary>], iteration_bounds = array<i64: 4>, scalar_prefetch = 0 : i64, scratch_operands = 0 : i64, tpu.core_type = #tpu.core_type<tc>, window_params = [{transform_indices = @transform_0, window_bounds = array<i64: 1024, 1024>}, {pipeline_mode = #tpu.pipeline_mode<synchronous>, transform_indices = @transform_1, window_bounds = array<i64: 8, 1024>}, {transform_indices = @transform_2, window_bounds = array<i64: 1, 1024>}, {transform_indices = @transform_3, window_bounds = array<i64: 1, 1024>}]} {
    %get3A = arith.constant 0 : index
    %get3A_0 = arith.constant 0 : index
    %get3A_1 = vector.load %arg1[%get3A, %get3A_0] : memref<1024x1024xf32, #tpu.memory_space<vmem>>, vector<1024x1024xf32>
    %get3A_2 = arith.constant 0 : index
    %get3A_3 = arith.constant 0 : index
    %get3A_4 = vector.load %arg2[%get3A_2, %get3A_3] : memref<8x1024xf32, #tpu.memory_space<vmem>>, vector<8x1024xf32>
    %dot_general3A = arith.constant dense<0.000000e+00> : vector<8x1024xf32>
    %dot_general3A_5 = tpu.matmul %get3A_4, %get3A_1, %dot_general3A {dimension_numbers = #tpu.dot_dimension_numbers<[1], [1], [0], [0], [0, 0, 1, 0], [], []>, transpose_lhs_hint = false} : vector<8x1024xf32>, vector<1024x1024xf32>, vector<8x1024xf32> -> vector<8x1024xf32>
    %reduce_max3A = arith.constant dense<0xFF800000> : vector<1024xf32>
    %reduce_max3A_6 = vector.multi_reduction <maximumf>, %dot_general3A_5, %reduce_max3A [0] : vector<8x1024xf32> to vector<1024xf32>
    %broadcast_in_dim3A = vector.shape_cast %reduce_max3A_6 : vector<1024xf32> to vector<1x1024xf32>
    %sub3A = vector.broadcast %broadcast_in_dim3A : vector<1x1024xf32> to vector<8x1024xf32>
    %sub3A_7 = arith.subf %dot_general3A_5, %sub3A : vector<8x1024xf32>
    %exp3A = math.exp %sub3A_7 : vector<8x1024xf32>
    %reduce_sum3A = arith.constant dense<0.000000e+00> : vector<1024xf32>
    %reduce_sum3A_8 = vector.multi_reduction <add>, %exp3A, %reduce_sum3A [0] : vector<8x1024xf32> to vector<1024xf32>
    %broadcast_in_dim3A_9 = vector.shape_cast %reduce_sum3A_8 : vector<1024xf32> to vector<1x1024xf32>
    %div3A = vector.broadcast %broadcast_in_dim3A_9 : vector<1x1024xf32> to vector<8x1024xf32>
    %div3A_10 = arith.divf %exp3A, %div3A : vector<8x1024xf32>
    %reduce_max3A_11 = arith.constant dense<0xFF800000> : vector<1024xf32>
    %reduce_max3A_12 = vector.multi_reduction <maximumf>, %div3A_10, %reduce_max3A_11 [0] : vector<8x1024xf32> to vector<1024xf32>
    %broadcast_in_dim3A_13 = vector.shape_cast %reduce_max3A_12 : vector<1024xf32> to vector<1x1024xf32>
    %swap3A = arith.constant 0 : index
    %swap3A_14 = arith.constant 0 : index
    %swap3A_15 = vector.load %arg3[%swap3A, %swap3A_14] : memref<1x1024xf32, #tpu.memory_space<vmem>>, vector<1x1024xf32>
    tpu.vector_store %arg3[%swap3A, %swap3A_14], %broadcast_in_dim3A_13 {strides = array<i32>} : memref<1x1024xf32, #tpu.memory_space<vmem>>, vector<1x1024xf32>,
    %argmax3A = tpu.reduce_index %div3A_10 {axis = 0 : i32, kind = #tpu.reduction_kind<arg_max>} : vector<8x1024xf32> -> vector<1024xi32>
    %broadcast_in_dim3A_16 = vector.shape_cast %argmax3A : vector<1024xi32> to vector<1x1024xi32>
    %swap3A_17 = arith.constant 0 : index
    %swap3A_18 = arith.constant 0 : index
    %swap3A_19 = vector.load %arg4[%swap3A_17, %swap3A_18] : memref<1x1024xi32, #tpu.memory_space<vmem>>, vector<1x1024xi32>
    tpu.vector_store %arg4[%swap3A_17, %swap3A_18], %broadcast_in_dim3A_16 {strides = array<i32>} : memref<1x1024xi32, #tpu.memory_space<vmem>>, vector<1x1024xi32>,
    return
  }
  func.func @transform_0(%arg0: i32) -> (i32, i32) {
    %c0_i32 = arith.constant 0 : i32
    %c0_i32_0 = arith.constant 0 : i32
    return %arg0, %c0_i32 : i32, i32
  }
  func.func @transform_1(%arg0: i32) -> (i32, i32) {
    %c0_i32 = arith.constant 0 : i32
    %c0_i32_0 = arith.constant 0 : i32
    %c0_i32_1 = arith.constant 0 : i32
    return %c0_i32, %c0_i32_0 : i32, i32
  }
  func.func @transform_2(%arg0: i32) -> (i32, i32) {
    %c0_i32 = arith.constant 0 : i32
    %c0_i32_0 = arith.constant 0 : i32
    return %c0_i32, %arg0 : i32, i32
  }
  func.func @transform_3(%arg0: i32) -> (i32, i32) {
    %c0_i32 = arith.constant 0 : i32
    %c0_i32_0 = arith.constant 0 : i32
    return %c0_i32, %arg0 : i32, i32
  }
}

module attributes {stable_mosaic.version = 14 : i64} {
  func.func @_rank_body(%arg0: i32, %arg1: memref<1x4096xf32, #tpu.memory_space<vmem>>, %arg2: memref<1x4096xi32, #tpu.memory_space<vmem>>, %arg3: memref<512x1xf32, #tpu.memory_space<vmem>>, %arg4: memref<512x1xi32, #tpu.memory_space<vmem>>, %arg5: memref<512x1xi32, #tpu.memory_space<vmem>>, %arg6: memref<512x1xi32, #tpu.memory_space<vmem>>, %arg7: memref<1x1xf32, #tpu.memory_space<vmem>>, %arg8: memref<1x1xf32, #tpu.memory_space<vmem>>) attributes {dimension_semantics = [#tpu.dimension_semantics<arbitrary>], iteration_bounds = array<i64: 8>, scalar_prefetch = 0 : i64, scratch_operands = 0 : i64, tpu.core_type = #tpu.core_type<tc>, window_params = [{pipeline_mode = #tpu.pipeline_mode<synchronous>, transform_indices = @transform_0, window_bounds = array<i64: 1, 4096>}, {pipeline_mode = #tpu.pipeline_mode<synchronous>, transform_indices = @transform_1, window_bounds = array<i64: 1, 4096>}, {transform_indices = @transform_2, window_bounds = array<i64: 512, 1>}, {transform_indices = @transform_3, window_bounds = array<i64: 512, 1>}, {transform_indices = @transform_4, window_bounds = array<i64: 512, 1>}, {transform_indices = @transform_5, window_bounds = array<i64: 512, 1>}, {pipeline_mode = #tpu.pipeline_mode<synchronous>, transform_indices = @transform_6, window_bounds = array<i64: 1, 1>}, {pipeline_mode = #tpu.pipeline_mode<synchronous>, transform_indices = @transform_7, window_bounds = array<i64: 1, 1>}]} {
    %get3A = arith.constant 0 : index
    %get3A_0 = arith.constant 0 : index
    %get3A_1 = vector.load %arg3[%get3A, %get3A_0] : memref<512x1xf32, #tpu.memory_space<vmem>>, vector<512x1xf32>
    %get3A_2 = arith.constant 0 : index
    %get3A_3 = arith.constant 0 : index
    %get3A_4 = vector.load %arg4[%get3A_2, %get3A_3] : memref<512x1xi32, #tpu.memory_space<vmem>>, vector<512x1xi32>
    %mul3A = arith.constant 512 : i32
    %mul3A_5 = arith.muli %arg0, %mul3A : i32
    %iota3A = tpu.iota {dimensions = array<i32: 0>} : vector<512x1xi32>
    %add3A = vector.broadcast %mul3A_5 : i32 to vector<512x1xi32>
    %add3A_6 = arith.addi %add3A, %iota3A : vector<512x1xi32>
    %broadcast_in_dim3A = arith.constant 0.000000e+00 : f32
    %broadcast_in_dim3A_7 = vector.broadcast %broadcast_in_dim3A : f32 to vector<512x1xf32>
    %get3A_8 = arith.constant 0 : index
    %get3A_9 = arith.constant 0 : index
    %get3A_10 = vector.load %arg1[%get3A_8, %get3A_9] : memref<1x4096xf32, #tpu.memory_space<vmem>>, vector<1x512xf32>
    %get3A_11 = arith.constant 0 : index
    %get3A_12 = arith.constant 0 : index
    %get3A_13 = vector.load %arg2[%get3A_11, %get3A_12] : memref<1x4096xi32, #tpu.memory_space<vmem>>, vector<1x512xi32>
    %iota3A_14 = tpu.iota {dimensions = array<i32: 1>} : vector<1x512xi32>
    %add3A_15 = arith.constant 0 : i32
    %add3A_16 = vector.broadcast %add3A_15 : i32 to vector<1x512xi32>
    %add3A_17 = arith.addi %add3A_16, %iota3A_14 : vector<1x512xi32>
    %eq3A = vector.broadcast %get3A_13 : vector<1x512xi32> to vector<512x512xi32>
    %eq3A_18 = vector.broadcast %get3A_4 : vector<512x1xi32> to vector<512x512xi32>
    %eq3A_19 = arith.cmpi eq, %eq3A, %eq3A_18 : vector<512x512xi32>
    %gt3A = vector.broadcast %get3A_10 : vector<1x512xf32> to vector<512x512xf32>
    %gt3A_20 = vector.broadcast %get3A_1 : vector<512x1xf32> to vector<512x512xf32>
    %gt3A_21 = arith.cmpf ogt, %gt3A, %gt3A_20 : vector<512x512xf32>
    %eq3A_22 = vector.broadcast %get3A_10 : vector<1x512xf32> to vector<512x512xf32>
    %eq3A_23 = vector.broadcast %get3A_1 : vector<512x1xf32> to vector<512x512xf32>
    %eq3A_24 = arith.cmpf oeq, %eq3A_22, %eq3A_23 : vector<512x512xf32>
    %lt3A = vector.broadcast %add3A_17 : vector<1x512xi32> to vector<512x512xi32>
    %lt3A_25 = vector.broadcast %add3A_6 : vector<512x1xi32> to vector<512x512xi32>
    %lt3A_26 = arith.cmpi slt, %lt3A, %lt3A_25 : vector<512x512xi32>
    %and3A = arith.andi %eq3A_24, %lt3A_26 : vector<512x512xi1>
    %or3A = arith.ori %gt3A_21, %and3A : vector<512x512xi1>
    %and3A_27 = arith.andi %eq3A_19, %or3A : vector<512x512xi1>
    %jit3A = arith.constant 1.000000e+00 : f32
    %jit3A_28 = arith.constant 0.000000e+00 : f32
    %broadcast_in_dim3A_29 = vector.broadcast %jit3A : f32 to vector<512x512xf32>
    %broadcast_in_dim3A_30 = vector.broadcast %jit3A_28 : f32 to vector<512x512xf32>
    %select_n3A = arith.select %and3A_27, %broadcast_in_dim3A_29, %broadcast_in_dim3A_30 : vector<512x512xi1>, vector<512x512xf32>
    %reduce_sum3A = arith.constant dense<0.000000e+00> : vector<512xf32>
    %reduce_sum3A_31 = vector.multi_reduction <add>, %select_n3A, %reduce_sum3A [1] : vector<512x512xf32> to vector<512xf32>
    %broadcast_in_dim3A_32 = vector.shape_cast %reduce_sum3A_31 : vector<512xf32> to vector<512x1xf32>
    %add3A_33 = arith.addf %broadcast_in_dim3A_7, %broadcast_in_dim3A_32 : vector<512x1xf32>
    %get3A_34 = arith.constant 0 : index
    %get3A_35 = arith.constant 512 : index
    %get3A_36 = vector.load %arg1[%get3A_34, %get3A_35] : memref<1x4096xf32, #tpu.memory_space<vmem>>, vector<1x512xf32>
    %get3A_37 = arith.constant 0 : index
    %get3A_38 = arith.constant 512 : index
    %get3A_39 = vector.load %arg2[%get3A_37, %get3A_38] : memref<1x4096xi32, #tpu.memory_space<vmem>>, vector<1x512xi32>
    %iota3A_40 = tpu.iota {dimensions = array<i32: 1>} : vector<1x512xi32>
    %add3A_41 = arith.constant 512 : i32
    %add3A_42 = vector.broadcast %add3A_41 : i32 to vector<1x512xi32>
    %add3A_43 = arith.addi %add3A_42, %iota3A_40 : vector<1x512xi32>
    %eq3A_44 = vector.broadcast %get3A_39 : vector<1x512xi32> to vector<512x512xi32>
    %eq3A_45 = vector.broadcast %get3A_4 : vector<512x1xi32> to vector<512x512xi32>
    %eq3A_46 = arith.cmpi eq, %eq3A_44, %eq3A_45 : vector<512x512xi32>
    %gt3A_47 = vector.broadcast %get3A_36 : vector<1x512xf32> to vector<512x512xf32>
    %gt3A_48 = vector.broadcast %get3A_1 : vector<512x1xf32> to vector<512x512xf32>
    %gt3A_49 = arith.cmpf ogt, %gt3A_47, %gt3A_48 : vector<512x512xf32>
    %eq3A_50 = vector.broadcast %get3A_36 : vector<1x512xf32> to vector<512x512xf32>
    %eq3A_51 = vector.broadcast %get3A_1 : vector<512x1xf32> to vector<512x512xf32>
    %eq3A_52 = arith.cmpf oeq, %eq3A_50, %eq3A_51 : vector<512x512xf32>
    %lt3A_53 = vector.broadcast %add3A_43 : vector<1x512xi32> to vector<512x512xi32>
    %lt3A_54 = vector.broadcast %add3A_6 : vector<512x1xi32> to vector<512x512xi32>
    %lt3A_55 = arith.cmpi slt, %lt3A_53, %lt3A_54 : vector<512x512xi32>
    %and3A_56 = arith.andi %eq3A_52, %lt3A_55 : vector<512x512xi1>
    %or3A_57 = arith.ori %gt3A_49, %and3A_56 : vector<512x512xi1>
    %and3A_58 = arith.andi %eq3A_46, %or3A_57 : vector<512x512xi1>
    %jit3A_59 = arith.constant 1.000000e+00 : f32
    %jit3A_60 = arith.constant 0.000000e+00 : f32
    %broadcast_in_dim3A_61 = vector.broadcast %jit3A_59 : f32 to vector<512x512xf32>
    %broadcast_in_dim3A_62 = vector.broadcast %jit3A_60 : f32 to vector<512x512xf32>
    %select_n3A_63 = arith.select %and3A_58, %broadcast_in_dim3A_61, %broadcast_in_dim3A_62 : vector<512x512xi1>, vector<512x512xf32>
    %reduce_sum3A_64 = arith.constant dense<0.000000e+00> : vector<512xf32>
    %reduce_sum3A_65 = vector.multi_reduction <add>, %select_n3A_63, %reduce_sum3A_64 [1] : vector<512x512xf32> to vector<512xf32>
    %broadcast_in_dim3A_66 = vector.shape_cast %reduce_sum3A_65 : vector<512xf32> to vector<512x1xf32>
    %add3A_67 = arith.addf %add3A_33, %broadcast_in_dim3A_66 : vector<512x1xf32>
    %get3A_68 = arith.constant 0 : index
    %get3A_69 = arith.constant 1024 : index
    %get3A_70 = vector.load %arg1[%get3A_68, %get3A_69] : memref<1x4096xf32, #tpu.memory_space<vmem>>, vector<1x512xf32>
    %get3A_71 = arith.constant 0 : index
    %get3A_72 = arith.constant 1024 : index
    %get3A_73 = vector.load %arg2[%get3A_71, %get3A_72] : memref<1x4096xi32, #tpu.memory_space<vmem>>, vector<1x512xi32>
    %iota3A_74 = tpu.iota {dimensions = array<i32: 1>} : vector<1x512xi32>
    %add3A_75 = arith.constant 1024 : i32
    %add3A_76 = vector.broadcast %add3A_75 : i32 to vector<1x512xi32>
    %add3A_77 = arith.addi %add3A_76, %iota3A_74 : vector<1x512xi32>
    %eq3A_78 = vector.broadcast %get3A_73 : vector<1x512xi32> to vector<512x512xi32>
    %eq3A_79 = vector.broadcast %get3A_4 : vector<512x1xi32> to vector<512x512xi32>
    %eq3A_80 = arith.cmpi eq, %eq3A_78, %eq3A_79 : vector<512x512xi32>
    %gt3A_81 = vector.broadcast %get3A_70 : vector<1x512xf32> to vector<512x512xf32>
    %gt3A_82 = vector.broadcast %get3A_1 : vector<512x1xf32> to vector<512x512xf32>
    %gt3A_83 = arith.cmpf ogt, %gt3A_81, %gt3A_82 : vector<512x512xf32>
    %eq3A_84 = vector.broadcast %get3A_70 : vector<1x512xf32> to vector<512x512xf32>
    %eq3A_85 = vector.broadcast %get3A_1 : vector<512x1xf32> to vector<512x512xf32>
    %eq3A_86 = arith.cmpf oeq, %eq3A_84, %eq3A_85 : vector<512x512xf32>
    %lt3A_87 = vector.broadcast %add3A_77 : vector<1x512xi32> to vector<512x512xi32>
    %lt3A_88 = vector.broadcast %add3A_6 : vector<512x1xi32> to vector<512x512xi32>
    %lt3A_89 = arith.cmpi slt, %lt3A_87, %lt3A_88 : vector<512x512xi32>
    %and3A_90 = arith.andi %eq3A_86, %lt3A_89 : vector<512x512xi1>
    %or3A_91 = arith.ori %gt3A_83, %and3A_90 : vector<512x512xi1>
    %and3A_92 = arith.andi %eq3A_80, %or3A_91 : vector<512x512xi1>
    %jit3A_93 = arith.constant 1.000000e+00 : f32
    %jit3A_94 = arith.constant 0.000000e+00 : f32
    %broadcast_in_dim3A_95 = vector.broadcast %jit3A_93 : f32 to vector<512x512xf32>
    %broadcast_in_dim3A_96 = vector.broadcast %jit3A_94 : f32 to vector<512x512xf32>
    %select_n3A_97 = arith.select %and3A_92, %broadcast_in_dim3A_95, %broadcast_in_dim3A_96 : vector<512x512xi1>, vector<512x512xf32>
    %reduce_sum3A_98 = arith.constant dense<0.000000e+00> : vector<512xf32>
    %reduce_sum3A_99 = vector.multi_reduction <add>, %select_n3A_97, %reduce_sum3A_98 [1] : vector<512x512xf32> to vector<512xf32>
    %broadcast_in_dim3A_100 = vector.shape_cast %reduce_sum3A_99 : vector<512xf32> to vector<512x1xf32>
    %add3A_101 = arith.addf %add3A_67, %broadcast_in_dim3A_100 : vector<512x1xf32>
    %get3A_102 = arith.constant 0 : index
    %get3A_103 = arith.constant 1536 : index
    %get3A_104 = vector.load %arg1[%get3A_102, %get3A_103] : memref<1x4096xf32, #tpu.memory_space<vmem>>, vector<1x512xf32>
    %get3A_105 = arith.constant 0 : index
    %get3A_106 = arith.constant 1536 : index
    %get3A_107 = vector.load %arg2[%get3A_105, %get3A_106] : memref<1x4096xi32, #tpu.memory_space<vmem>>, vector<1x512xi32>
    %iota3A_108 = tpu.iota {dimensions = array<i32: 1>} : vector<1x512xi32>
    %add3A_109 = arith.constant 1536 : i32
    %add3A_110 = vector.broadcast %add3A_109 : i32 to vector<1x512xi32>
    %add3A_111 = arith.addi %add3A_110, %iota3A_108 : vector<1x512xi32>
    %eq3A_112 = vector.broadcast %get3A_107 : vector<1x512xi32> to vector<512x512xi32>
    %eq3A_113 = vector.broadcast %get3A_4 : vector<512x1xi32> to vector<512x512xi32>
    %eq3A_114 = arith.cmpi eq, %eq3A_112, %eq3A_113 : vector<512x512xi32>
    %gt3A_115 = vector.broadcast %get3A_104 : vector<1x512xf32> to vector<512x512xf32>
    %gt3A_116 = vector.broadcast %get3A_1 : vector<512x1xf32> to vector<512x512xf32>
    %gt3A_117 = arith.cmpf ogt, %gt3A_115, %gt3A_116 : vector<512x512xf32>
    %eq3A_118 = vector.broadcast %get3A_104 : vector<1x512xf32> to vector<512x512xf32>
    %eq3A_119 = vector.broadcast %get3A_1 : vector<512x1xf32> to vector<512x512xf32>
    %eq3A_120 = arith.cmpf oeq, %eq3A_118, %eq3A_119 : vector<512x512xf32>
    %lt3A_121 = vector.broadcast %add3A_111 : vector<1x512xi32> to vector<512x512xi32>
    %lt3A_122 = vector.broadcast %add3A_6 : vector<512x1xi32> to vector<512x512xi32>
    %lt3A_123 = arith.cmpi slt, %lt3A_121, %lt3A_122 : vector<512x512xi32>
    %and3A_124 = arith.andi %eq3A_120, %lt3A_123 : vector<512x512xi1>
    %or3A_125 = arith.ori %gt3A_117, %and3A_124 : vector<512x512xi1>
    %and3A_126 = arith.andi %eq3A_114, %or3A_125 : vector<512x512xi1>
    %jit3A_127 = arith.constant 1.000000e+00 : f32
    %jit3A_128 = arith.constant 0.000000e+00 : f32
    %broadcast_in_dim3A_129 = vector.broadcast %jit3A_127 : f32 to vector<512x512xf32>
    %broadcast_in_dim3A_130 = vector.broadcast %jit3A_128 : f32 to vector<512x512xf32>
    %select_n3A_131 = arith.select %and3A_126, %broadcast_in_dim3A_129, %broadcast_in_dim3A_130 : vector<512x512xi1>, vector<512x512xf32>
    %reduce_sum3A_132 = arith.constant dense<0.000000e+00> : vector<512xf32>
    %reduce_sum3A_133 = vector.multi_reduction <add>, %select_n3A_131, %reduce_sum3A_132 [1] : vector<512x512xf32> to vector<512xf32>
    %broadcast_in_dim3A_134 = vector.shape_cast %reduce_sum3A_133 : vector<512xf32> to vector<512x1xf32>
    %add3A_135 = arith.addf %add3A_101, %broadcast_in_dim3A_134 : vector<512x1xf32>
    %get3A_136 = arith.constant 0 : index
    %get3A_137 = arith.constant 2048 : index
    %get3A_138 = vector.load %arg1[%get3A_136, %get3A_137] : memref<1x4096xf32, #tpu.memory_space<vmem>>, vector<1x512xf32>
    %get3A_139 = arith.constant 0 : index
    %get3A_140 = arith.constant 2048 : index
    %get3A_141 = vector.load %arg2[%get3A_139, %get3A_140] : memref<1x4096xi32, #tpu.memory_space<vmem>>, vector<1x512xi32>
    %iota3A_142 = tpu.iota {dimensions = array<i32: 1>} : vector<1x512xi32>
    %add3A_143 = arith.constant 2048 : i32
    %add3A_144 = vector.broadcast %add3A_143 : i32 to vector<1x512xi32>
    %add3A_145 = arith.addi %add3A_144, %iota3A_142 : vector<1x512xi32>
    %eq3A_146 = vector.broadcast %get3A_141 : vector<1x512xi32> to vector<512x512xi32>
    %eq3A_147 = vector.broadcast %get3A_4 : vector<512x1xi32> to vector<512x512xi32>
    %eq3A_148 = arith.cmpi eq, %eq3A_146, %eq3A_147 : vector<512x512xi32>
    %gt3A_149 = vector.broadcast %get3A_138 : vector<1x512xf32> to vector<512x512xf32>
    %gt3A_150 = vector.broadcast %get3A_1 : vector<512x1xf32> to vector<512x512xf32>
    %gt3A_151 = arith.cmpf ogt, %gt3A_149, %gt3A_150 : vector<512x512xf32>
    %eq3A_152 = vector.broadcast %get3A_138 : vector<1x512xf32> to vector<512x512xf32>
    %eq3A_153 = vector.broadcast %get3A_1 : vector<512x1xf32> to vector<512x512xf32>
    %eq3A_154 = arith.cmpf oeq, %eq3A_152, %eq3A_153 : vector<512x512xf32>
    %lt3A_155 = vector.broadcast %add3A_145 : vector<1x512xi32> to vector<512x512xi32>
    %lt3A_156 = vector.broadcast %add3A_6 : vector<512x1xi32> to vector<512x512xi32>
    %lt3A_157 = arith.cmpi slt, %lt3A_155, %lt3A_156 : vector<512x512xi32>
    %and3A_158 = arith.andi %eq3A_154, %lt3A_157 : vector<512x512xi1>
    %or3A_159 = arith.ori %gt3A_151, %and3A_158 : vector<512x512xi1>
    %and3A_160 = arith.andi %eq3A_148, %or3A_159 : vector<512x512xi1>
    %jit3A_161 = arith.constant 1.000000e+00 : f32
    %jit3A_162 = arith.constant 0.000000e+00 : f32
    %broadcast_in_dim3A_163 = vector.broadcast %jit3A_161 : f32 to vector<512x512xf32>
    %broadcast_in_dim3A_164 = vector.broadcast %jit3A_162 : f32 to vector<512x512xf32>
    %select_n3A_165 = arith.select %and3A_160, %broadcast_in_dim3A_163, %broadcast_in_dim3A_164 : vector<512x512xi1>, vector<512x512xf32>
    %reduce_sum3A_166 = arith.constant dense<0.000000e+00> : vector<512xf32>
    %reduce_sum3A_167 = vector.multi_reduction <add>, %select_n3A_165, %reduce_sum3A_166 [1] : vector<512x512xf32> to vector<512xf32>
    %broadcast_in_dim3A_168 = vector.shape_cast %reduce_sum3A_167 : vector<512xf32> to vector<512x1xf32>
    %add3A_169 = arith.addf %add3A_135, %broadcast_in_dim3A_168 : vector<512x1xf32>
    %get3A_170 = arith.constant 0 : index
    %get3A_171 = arith.constant 2560 : index
    %get3A_172 = vector.load %arg1[%get3A_170, %get3A_171] : memref<1x4096xf32, #tpu.memory_space<vmem>>, vector<1x512xf32>
    %get3A_173 = arith.constant 0 : index
    %get3A_174 = arith.constant 2560 : index
    %get3A_175 = vector.load %arg2[%get3A_173, %get3A_174] : memref<1x4096xi32, #tpu.memory_space<vmem>>, vector<1x512xi32>
    %iota3A_176 = tpu.iota {dimensions = array<i32: 1>} : vector<1x512xi32>
    %add3A_177 = arith.constant 2560 : i32
    %add3A_178 = vector.broadcast %add3A_177 : i32 to vector<1x512xi32>
    %add3A_179 = arith.addi %add3A_178, %iota3A_176 : vector<1x512xi32>
    %eq3A_180 = vector.broadcast %get3A_175 : vector<1x512xi32> to vector<512x512xi32>
    %eq3A_181 = vector.broadcast %get3A_4 : vector<512x1xi32> to vector<512x512xi32>
    %eq3A_182 = arith.cmpi eq, %eq3A_180, %eq3A_181 : vector<512x512xi32>
    %gt3A_183 = vector.broadcast %get3A_172 : vector<1x512xf32> to vector<512x512xf32>
    %gt3A_184 = vector.broadcast %get3A_1 : vector<512x1xf32> to vector<512x512xf32>
    %gt3A_185 = arith.cmpf ogt, %gt3A_183, %gt3A_184 : vector<512x512xf32>
    %eq3A_186 = vector.broadcast %get3A_172 : vector<1x512xf32> to vector<512x512xf32>
    %eq3A_187 = vector.broadcast %get3A_1 : vector<512x1xf32> to vector<512x512xf32>
    %eq3A_188 = arith.cmpf oeq, %eq3A_186, %eq3A_187 : vector<512x512xf32>
    %lt3A_189 = vector.broadcast %add3A_179 : vector<1x512xi32> to vector<512x512xi32>
    %lt3A_190 = vector.broadcast %add3A_6 : vector<512x1xi32> to vector<512x512xi32>
    %lt3A_191 = arith.cmpi slt, %lt3A_189, %lt3A_190 : vector<512x512xi32>
    %and3A_192 = arith.andi %eq3A_188, %lt3A_191 : vector<512x512xi1>
    %or3A_193 = arith.ori %gt3A_185, %and3A_192 : vector<512x512xi1>
    %and3A_194 = arith.andi %eq3A_182, %or3A_193 : vector<512x512xi1>
    %jit3A_195 = arith.constant 1.000000e+00 : f32
    %jit3A_196 = arith.constant 0.000000e+00 : f32
    %broadcast_in_dim3A_197 = vector.broadcast %jit3A_195 : f32 to vector<512x512xf32>
    %broadcast_in_dim3A_198 = vector.broadcast %jit3A_196 : f32 to vector<512x512xf32>
    %select_n3A_199 = arith.select %and3A_194, %broadcast_in_dim3A_197, %broadcast_in_dim3A_198 : vector<512x512xi1>, vector<512x512xf32>
    %reduce_sum3A_200 = arith.constant dense<0.000000e+00> : vector<512xf32>
    %reduce_sum3A_201 = vector.multi_reduction <add>, %select_n3A_199, %reduce_sum3A_200 [1] : vector<512x512xf32> to vector<512xf32>
    %broadcast_in_dim3A_202 = vector.shape_cast %reduce_sum3A_201 : vector<512xf32> to vector<512x1xf32>
    %add3A_203 = arith.addf %add3A_169, %broadcast_in_dim3A_202 : vector<512x1xf32>
    %get3A_204 = arith.constant 0 : index
    %get3A_205 = arith.constant 3072 : index
    %get3A_206 = vector.load %arg1[%get3A_204, %get3A_205] : memref<1x4096xf32, #tpu.memory_space<vmem>>, vector<1x512xf32>
    %get3A_207 = arith.constant 0 : index
    %get3A_208 = arith.constant 3072 : index
    %get3A_209 = vector.load %arg2[%get3A_207, %get3A_208] : memref<1x4096xi32, #tpu.memory_space<vmem>>, vector<1x512xi32>
    %iota3A_210 = tpu.iota {dimensions = array<i32: 1>} : vector<1x512xi32>
    %add3A_211 = arith.constant 3072 : i32
    %add3A_212 = vector.broadcast %add3A_211 : i32 to vector<1x512xi32>
    %add3A_213 = arith.addi %add3A_212, %iota3A_210 : vector<1x512xi32>
    %eq3A_214 = vector.broadcast %get3A_209 : vector<1x512xi32> to vector<512x512xi32>
    %eq3A_215 = vector.broadcast %get3A_4 : vector<512x1xi32> to vector<512x512xi32>
    %eq3A_216 = arith.cmpi eq, %eq3A_214, %eq3A_215 : vector<512x512xi32>
    %gt3A_217 = vector.broadcast %get3A_206 : vector<1x512xf32> to vector<512x512xf32>
    %gt3A_218 = vector.broadcast %get3A_1 : vector<512x1xf32> to vector<512x512xf32>
    %gt3A_219 = arith.cmpf ogt, %gt3A_217, %gt3A_218 : vector<512x512xf32>
    %eq3A_220 = vector.broadcast %get3A_206 : vector<1x512xf32> to vector<512x512xf32>
    %eq3A_221 = vector.broadcast %get3A_1 : vector<512x1xf32> to vector<512x512xf32>
    %eq3A_222 = arith.cmpf oeq, %eq3A_220, %eq3A_221 : vector<512x512xf32>
    %lt3A_223 = vector.broadcast %add3A_213 : vector<1x512xi32> to vector<512x512xi32>
    %lt3A_224 = vector.broadcast %add3A_6 : vector<512x1xi32> to vector<512x512xi32>
    %lt3A_225 = arith.cmpi slt, %lt3A_223, %lt3A_224 : vector<512x512xi32>
    %and3A_226 = arith.andi %eq3A_222, %lt3A_225 : vector<512x512xi1>
    %or3A_227 = arith.ori %gt3A_219, %and3A_226 : vector<512x512xi1>
    %and3A_228 = arith.andi %eq3A_216, %or3A_227 : vector<512x512xi1>
    %jit3A_229 = arith.constant 1.000000e+00 : f32
    %jit3A_230 = arith.constant 0.000000e+00 : f32
    %broadcast_in_dim3A_231 = vector.broadcast %jit3A_229 : f32 to vector<512x512xf32>
    %broadcast_in_dim3A_232 = vector.broadcast %jit3A_230 : f32 to vector<512x512xf32>
    %select_n3A_233 = arith.select %and3A_228, %broadcast_in_dim3A_231, %broadcast_in_dim3A_232 : vector<512x512xi1>, vector<512x512xf32>
    %reduce_sum3A_234 = arith.constant dense<0.000000e+00> : vector<512xf32>
    %reduce_sum3A_235 = vector.multi_reduction <add>, %select_n3A_233, %reduce_sum3A_234 [1] : vector<512x512xf32> to vector<512xf32>
    %broadcast_in_dim3A_236 = vector.shape_cast %reduce_sum3A_235 : vector<512xf32> to vector<512x1xf32>
    %add3A_237 = arith.addf %add3A_203, %broadcast_in_dim3A_236 : vector<512x1xf32>
    %get3A_238 = arith.constant 0 : index
    %get3A_239 = arith.constant 3584 : index
    %get3A_240 = vector.load %arg1[%get3A_238, %get3A_239] : memref<1x4096xf32, #tpu.memory_space<vmem>>, vector<1x512xf32>
    %get3A_241 = arith.constant 0 : index
    %get3A_242 = arith.constant 3584 : index
    %get3A_243 = vector.load %arg2[%get3A_241, %get3A_242] : memref<1x4096xi32, #tpu.memory_space<vmem>>, vector<1x512xi32>
    %iota3A_244 = tpu.iota {dimensions = array<i32: 1>} : vector<1x512xi32>
    %add3A_245 = arith.constant 3584 : i32
    %add3A_246 = vector.broadcast %add3A_245 : i32 to vector<1x512xi32>
    %add3A_247 = arith.addi %add3A_246, %iota3A_244 : vector<1x512xi32>
    %eq3A_248 = vector.broadcast %get3A_243 : vector<1x512xi32> to vector<512x512xi32>
    %eq3A_249 = vector.broadcast %get3A_4 : vector<512x1xi32> to vector<512x512xi32>
    %eq3A_250 = arith.cmpi eq, %eq3A_248, %eq3A_249 : vector<512x512xi32>
    %gt3A_251 = vector.broadcast %get3A_240 : vector<1x512xf32> to vector<512x512xf32>
    %gt3A_252 = vector.broadcast %get3A_1 : vector<512x1xf32> to vector<512x512xf32>
    %gt3A_253 = arith.cmpf ogt, %gt3A_251, %gt3A_252 : vector<512x512xf32>
    %eq3A_254 = vector.broadcast %get3A_240 : vector<1x512xf32> to vector<512x512xf32>
    %eq3A_255 = vector.broadcast %get3A_1 : vector<512x1xf32> to vector<512x512xf32>
    %eq3A_256 = arith.cmpf oeq, %eq3A_254, %eq3A_255 : vector<512x512xf32>
    %lt3A_257 = vector.broadcast %add3A_247 : vector<1x512xi32> to vector<512x512xi32>
    %lt3A_258 = vector.broadcast %add3A_6 : vector<512x1xi32> to vector<512x512xi32>
    %lt3A_259 = arith.cmpi slt, %lt3A_257, %lt3A_258 : vector<512x512xi32>
    %and3A_260 = arith.andi %eq3A_256, %lt3A_259 : vector<512x512xi1>
    %or3A_261 = arith.ori %gt3A_253, %and3A_260 : vector<512x512xi1>
    %and3A_262 = arith.andi %eq3A_250, %or3A_261 : vector<512x512xi1>
    %jit3A_263 = arith.constant 1.000000e+00 : f32
    %jit3A_264 = arith.constant 0.000000e+00 : f32
    %broadcast_in_dim3A_265 = vector.broadcast %jit3A_263 : f32 to vector<512x512xf32>
    %broadcast_in_dim3A_266 = vector.broadcast %jit3A_264 : f32 to vector<512x512xf32>
    %select_n3A_267 = arith.select %and3A_262, %broadcast_in_dim3A_265, %broadcast_in_dim3A_266 : vector<512x512xi1>, vector<512x512xf32>
    %reduce_sum3A_268 = arith.constant dense<0.000000e+00> : vector<512xf32>
    %reduce_sum3A_269 = vector.multi_reduction <add>, %select_n3A_267, %reduce_sum3A_268 [1] : vector<512x512xf32> to vector<512xf32>
    %broadcast_in_dim3A_270 = vector.shape_cast %reduce_sum3A_269 : vector<512xf32> to vector<512x1xf32>
    %add3A_271 = arith.addf %add3A_237, %broadcast_in_dim3A_270 : vector<512x1xf32>
    %convert_element_type3A = arith.fptosi %add3A_271 : vector<512x1xf32> to vector<512x1xi32>
    %lt3A_272 = arith.constant 640 : i32
    %lt3A_273 = vector.broadcast %lt3A_272 : i32 to vector<512x1xi32>
    %lt3A_274 = arith.cmpi slt, %convert_element_type3A, %lt3A_273 : vector<512x1xi32>
    %mul3A_275 = arith.constant 640 : i32
    %mul3A_276 = vector.broadcast %mul3A_275 : i32 to vector<512x1xi32>
    %mul3A_277 = arith.muli %get3A_4, %mul3A_276 : vector<512x1xi32>
    %add3A_278 = arith.addi %mul3A_277, %convert_element_type3A : vector<512x1xi32>
    %jit3A_279 = arith.constant 5120 : i32
    %broadcast_in_dim3A_280 = vector.broadcast %jit3A_279 : i32 to vector<512x1xi32>
    %select_n3A_281 = arith.select %lt3A_274, %add3A_278, %broadcast_in_dim3A_280 : vector<512x1xi1>, vector<512x1xi32>
    %swap3A = arith.constant 0 : index
    %swap3A_282 = arith.constant 0 : index
    %swap3A_283 = vector.load %arg5[%swap3A, %swap3A_282] : memref<512x1xi32, #tpu.memory_space<vmem>>, vector<512x1xi32>
    tpu.vector_store %arg5[%swap3A, %swap3A_282], %select_n3A_281 {strides = array<i32>} : memref<512x1xi32, #tpu.memory_space<vmem>>, vector<512x1xi32>,
    %add3A_284 = arith.constant 5128 : i32
    %add3A_285 = vector.broadcast %add3A_284 : i32 to vector<512x1xi32>
    %add3A_286 = arith.addi %add3A_285, %add3A_6 : vector<512x1xi32>
    %select_n3A_287 = arith.select %lt3A_274, %add3A_278, %add3A_286 : vector<512x1xi1>, vector<512x1xi32>
    %swap3A_288 = arith.constant 0 : index
    %swap3A_289 = arith.constant 0 : index
    %swap3A_290 = vector.load %arg6[%swap3A_288, %swap3A_289] : memref<512x1xi32, #tpu.memory_space<vmem>>, vector<512x1xi32>
    tpu.vector_store %arg6[%swap3A_288, %swap3A_289], %select_n3A_287 {strides = array<i32>} : memref<512x1xi32, #tpu.memory_space<vmem>>, vector<512x1xi32>,
    %eq3A_291 = arith.constant 0 : i32
    %eq3A_292 = arith.cmpi eq, %arg0, %eq3A_291 : i32
    %convert_element_type3A_293 = arith.extui %eq3A_292 : i1 to i32
    %cond3A = arith.constant 0 : i32
    %cond3A_294 = arith.cmpi ne, %convert_element_type3A_293, %cond3A : i32
    scf.if %cond3A_294 {
      %get3A_295 = arith.constant 0 : index
      %get3A_296 = arith.constant 0 : index
      %get3A_297 = vector.load %arg2[%get3A_295, %get3A_296] : memref<1x4096xi32, #tpu.memory_space<vmem>>, vector<1x4096xi32>
      %iota3A_298 = tpu.iota {dimensions = array<i32: 0>} : vector<8x1xi32>
      %eq3A_299 = vector.broadcast %get3A_297 : vector<1x4096xi32> to vector<8x4096xi32>
      %eq3A_300 = vector.broadcast %iota3A_298 : vector<8x1xi32> to vector<8x4096xi32>
      %eq3A_301 = arith.cmpi eq, %eq3A_299, %eq3A_300 : vector<8x4096xi32>
      %jit3A_302 = arith.constant 1.000000e+00 : f32
      %jit3A_303 = arith.constant 0.000000e+00 : f32
      %broadcast_in_dim3A_304 = vector.broadcast %jit3A_302 : f32 to vector<8x4096xf32>
      %broadcast_in_dim3A_305 = vector.broadcast %jit3A_303 : f32 to vector<8x4096xf32>
      %select_n3A_306 = arith.select %eq3A_301, %broadcast_in_dim3A_304, %broadcast_in_dim3A_305 : vector<8x4096xi1>, vector<8x4096xf32>
      %reduce_sum3A_307 = arith.constant dense<0.000000e+00> : vector<8xf32>
      %reduce_sum3A_308 = vector.multi_reduction <add>, %select_n3A_306, %reduce_sum3A_307 [1] : vector<8x4096xf32> to vector<8xf32>
      %broadcast_in_dim3A_309 = vector.shape_cast %reduce_sum3A_308 : vector<8xf32> to vector<8x1xf32>
      %sub3A = arith.constant 5.120000e+02 : f32
      %sub3A_310 = vector.broadcast %sub3A : f32 to vector<8x1xf32>
      %sub3A_311 = arith.subf %broadcast_in_dim3A_309, %sub3A_310 : vector<8x1xf32>
      %integer_pow3A = arith.mulf %sub3A_311, %sub3A_311 : vector<8x1xf32>
      %reduce_sum3A_312 = arith.constant dense<0.000000e+00> : vector<1xf32>
      %reduce_sum3A_313 = vector.multi_reduction <add>, %integer_pow3A, %reduce_sum3A_312 [0] : vector<8x1xf32> to vector<1xf32>
      %broadcast_in_dim3A_314 = vector.shape_cast %reduce_sum3A_313 : vector<1xf32> to vector<1x1xf32>
      %div3A = arith.constant 8.000000e+00 : f32
      %div3A_315 = vector.broadcast %div3A : f32 to vector<1x1xf32>
      %div3A_316 = arith.divf %broadcast_in_dim3A_314, %div3A_315 : vector<1x1xf32>
      %div3A_317 = arith.constant 2.621440e+05 : f32
      %div3A_318 = vector.broadcast %div3A_317 : f32 to vector<1x1xf32>
      %div3A_319 = arith.divf %div3A_316, %div3A_318 : vector<1x1xf32>
      %sub3A_320 = arith.constant 6.400000e+02 : f32
      %sub3A_321 = vector.broadcast %sub3A_320 : f32 to vector<8x1xf32>
      %sub3A_322 = arith.subf %broadcast_in_dim3A_309, %sub3A_321 : vector<8x1xf32>
      %max3A = arith.constant 0.000000e+00 : f32
      %max3A_323 = vector.broadcast %max3A : f32 to vector<8x1xf32>
      %max3A_324 = arith.maximumf %sub3A_322, %max3A_323 : vector<8x1xf32>
      %reduce_sum3A_325 = arith.constant dense<0.000000e+00> : vector<1xf32>
      %reduce_sum3A_326 = vector.multi_reduction <add>, %max3A_324, %reduce_sum3A_325 [0] : vector<8x1xf32> to vector<1xf32>
      %broadcast_in_dim3A_327 = vector.shape_cast %reduce_sum3A_326 : vector<1xf32> to vector<1x1xf32>
      %div3A_328 = arith.constant 4.096000e+03 : f32
      %div3A_329 = vector.broadcast %div3A_328 : f32 to vector<1x1xf32>
      %div3A_330 = arith.divf %broadcast_in_dim3A_327, %div3A_329 : vector<1x1xf32>
      %swap3A_331 = arith.constant 0 : index
      %swap3A_332 = arith.constant 0 : index
      %swap3A_333 = vector.load %arg7[%swap3A_331, %swap3A_332] : memref<1x1xf32, #tpu.memory_space<vmem>>, vector<1x1xf32>
      tpu.vector_store %arg7[%swap3A_331, %swap3A_332], %div3A_319 {strides = array<i32>} : memref<1x1xf32, #tpu.memory_space<vmem>>, vector<1x1xf32>,
      %swap3A_334 = arith.constant 0 : index
      %swap3A_335 = arith.constant 0 : index
      %swap3A_336 = vector.load %arg8[%swap3A_334, %swap3A_335] : memref<1x1xf32, #tpu.memory_space<vmem>>, vector<1x1xf32>
      tpu.vector_store %arg8[%swap3A_334, %swap3A_335], %div3A_330 {strides = array<i32>} : memref<1x1xf32, #tpu.memory_space<vmem>>, vector<1x1xf32>,
    } else {
    }
    return
  }
  func.func @transform_0(%arg0: i32) -> (i32, i32) {
    %c0_i32 = arith.constant 0 : i32
    %c0_i32_0 = arith.constant 0 : i32
    %c0_i32_1 = arith.constant 0 : i32
    return %c0_i32, %c0_i32_0 : i32, i32
  }
  func.func @transform_1(%arg0: i32) -> (i32, i32) {
    %c0_i32 = arith.constant 0 : i32
    %c0_i32_0 = arith.constant 0 : i32
    %c0_i32_1 = arith.constant 0 : i32
    return %c0_i32, %c0_i32_0 : i32, i32
  }
  func.func @transform_2(%arg0: i32) -> (i32, i32) {
    %c0_i32 = arith.constant 0 : i32
    %c0_i32_0 = arith.constant 0 : i32
    return %arg0, %c0_i32 : i32, i32
  }
  func.func @transform_3(%arg0: i32) -> (i32, i32) {
    %c0_i32 = arith.constant 0 : i32
    %c0_i32_0 = arith.constant 0 : i32
    return %arg0, %c0_i32 : i32, i32
  }
  func.func @transform_4(%arg0: i32) -> (i32, i32) {
    %c0_i32 = arith.constant 0 : i32
    %c0_i32_0 = arith.constant 0 : i32
    return %arg0, %c0_i32 : i32, i32
  }
  func.func @transform_5(%arg0: i32) -> (i32, i32) {
    %c0_i32 = arith.constant 0 : i32
    %c0_i32_0 = arith.constant 0 : i32
    return %arg0, %c0_i32 : i32, i32
  }
  func.func @transform_6(%arg0: i32) -> (i32, i32) {
    %c0_i32 = arith.constant 0 : i32
    %c0_i32_0 = arith.constant 0 : i32
    %c0_i32_1 = arith.constant 0 : i32
    return %c0_i32, %c0_i32_0 : i32, i32
  }
  func.func @transform_7(%arg0: i32) -> (i32, i32) {
    %c0_i32 = arith.constant 0 : i32
    %c0_i32_0 = arith.constant 0 : i32
    %c0_i32_1 = arith.constant 0 : i32
    return %c0_i32, %c0_i32_0 : i32, i32
  }
}

module attributes {stable_mosaic.version = 14 : i64} {
  func.func @_ffn_body(%arg0: i32, %arg1: i32, %arg2: memref<640x1024xf32, #tpu.memory_space<vmem>>, %arg3: memref<1x1024x1024xf32, #tpu.memory_space<vmem>>, %arg4: memref<1x1x1024xf32, #tpu.memory_space<vmem>>, %arg5: memref<1x1024x1024xf32, #tpu.memory_space<vmem>>, %arg6: memref<1x1x1024xf32, #tpu.memory_space<vmem>>, %arg7: memref<640x1024xf32, #tpu.memory_space<vmem>>, %arg8: memref<640x1024xbf16, #tpu.memory_space<vmem>>) attributes {dimension_semantics = [#tpu.dimension_semantics<arbitrary>, #tpu.dimension_semantics<arbitrary>], iteration_bounds = array<i64: 8, 4>, scalar_prefetch = 0 : i64, scratch_operands = 1 : i64, tpu.core_type = #tpu.core_type<tc>, window_params = [{transform_indices = @transform_0, window_bounds = array<i64: 640, 1024>}, {transform_indices = @transform_1, window_bounds = array<i64: 1, 1024, 1024>}, {transform_indices = @transform_2, window_bounds = array<i64: 1, 1, 1024>}, {transform_indices = @transform_3, window_bounds = array<i64: 1, 1024, 1024>}, {transform_indices = @transform_4, window_bounds = array<i64: 1, 1, 1024>}, {transform_indices = @transform_5, window_bounds = array<i64: 640, 1024>}]} {
    %eq3A = arith.constant 0 : i32
    %eq3A_0 = arith.cmpi eq, %arg1, %eq3A : i32
    %convert_element_type3A = arith.extui %eq3A_0 : i1 to i32
    %cond3A = arith.constant 0 : i32
    %cond3A_1 = arith.cmpi ne, %convert_element_type3A, %cond3A : i32
    scf.if %cond3A_1 {
      %get3A_49 = arith.constant 0 : index
      %get3A_50 = arith.constant 0 : index
      %get3A_51 = vector.load %arg2[%get3A_49, %get3A_50] : memref<640x1024xf32, #tpu.memory_space<vmem>>, vector<640x1024xf32>
      %convert_element_type3A_52 = arith.truncf %get3A_51 : vector<640x1024xf32> to vector<640x1024xbf16>
      %swap3A = arith.constant 0 : index
      %swap3A_53 = arith.constant 0 : index
      %swap3A_54 = vector.load %arg8[%swap3A, %swap3A_53] : memref<640x1024xbf16, #tpu.memory_space<vmem>>, vector<640x1024xbf16>
      tpu.vector_store %arg8[%swap3A, %swap3A_53], %convert_element_type3A_52 {strides = array<i32>} : memref<640x1024xbf16, #tpu.memory_space<vmem>>, vector<640x1024xbf16>,
    } else {
    }
    %get3A = arith.constant 0 : index
    %get3A_2 = arith.constant 0 : index
    %get3A_3 = vector.load %arg8[%get3A, %get3A_2] : memref<640x1024xbf16, #tpu.memory_space<vmem>>, vector<640x1024xbf16>
    %get3A_4 = arith.constant 0 : index
    %get3A_5 = arith.constant 0 : index
    %get3A_6 = arith.constant 0 : index
    %get3A_7 = vector.load %arg3[%get3A_4, %get3A_5, %get3A_6] : memref<1x1024x1024xf32, #tpu.memory_space<vmem>>, vector<1x1024x1024xf32>
    %get3A_8 = vector.shape_cast %get3A_7 : vector<1x1024x1024xf32> to vector<1024x1024xf32>
    %convert_element_type3A_9 = arith.truncf %get3A_8 : vector<1024x1024xf32> to vector<1024x1024xbf16>
    %dot_general3A = arith.constant dense<0.000000e+00> : vector<640x1024xf32>
    %dot_general3A_10 = tpu.matmul %get3A_3, %convert_element_type3A_9, %dot_general3A {dimension_numbers = #tpu.dot_dimension_numbers<[1], [1], [0], [0], [0, 0, 1, 0], [], []>, transpose_lhs_hint = false} : vector<640x1024xbf16>, vector<1024x1024xbf16>, vector<640x1024xf32> -> vector<640x1024xf32>
    %get3A_11 = arith.constant 0 : index
    %get3A_12 = arith.constant 0 : index
    %get3A_13 = arith.constant 0 : index
    %get3A_14 = vector.load %arg4[%get3A_11, %get3A_12, %get3A_13] : memref<1x1x1024xf32, #tpu.memory_space<vmem>>, vector<1x1x1024xf32>
    %get3A_15 = vector.shape_cast %get3A_14 : vector<1x1x1024xf32> to vector<1x1024xf32>
    %add3A = vector.broadcast %get3A_15 : vector<1x1024xf32> to vector<640x1024xf32>
    %add3A_16 = arith.addf %dot_general3A_10, %add3A : vector<640x1024xf32>
    %integer_pow3A = arith.mulf %add3A_16, %add3A_16 : vector<640x1024xf32>
    %integer_pow3A_17 = arith.mulf %add3A_16, %integer_pow3A : vector<640x1024xf32>
    %mul3A = arith.constant 4.471500e-02 : f32
    %mul3A_18 = vector.broadcast %mul3A : f32 to vector<640x1024xf32>
    %mul3A_19 = arith.mulf %mul3A_18, %integer_pow3A_17 : vector<640x1024xf32>
    %add3A_20 = arith.addf %add3A_16, %mul3A_19 : vector<640x1024xf32>
    %mul3A_21 = arith.constant 0.797884583 : f32
    %mul3A_22 = vector.broadcast %mul3A_21 : f32 to vector<640x1024xf32>
    %mul3A_23 = arith.mulf %mul3A_22, %add3A_20 : vector<640x1024xf32>
    %tanh3A = math.tanh %mul3A_23 : vector<640x1024xf32>
    %add3A_24 = arith.constant 1.000000e+00 : f32
    %add3A_25 = vector.broadcast %add3A_24 : f32 to vector<640x1024xf32>
    %add3A_26 = arith.addf %add3A_25, %tanh3A : vector<640x1024xf32>
    %mul3A_27 = arith.constant 5.000000e-01 : f32
    %mul3A_28 = vector.broadcast %mul3A_27 : f32 to vector<640x1024xf32>
    %mul3A_29 = arith.mulf %mul3A_28, %add3A_26 : vector<640x1024xf32>
    %mul3A_30 = arith.mulf %add3A_16, %mul3A_29 : vector<640x1024xf32>
    %get3A_31 = arith.constant 0 : index
    %get3A_32 = arith.constant 0 : index
    %get3A_33 = arith.constant 0 : index
    %get3A_34 = vector.load %arg5[%get3A_31, %get3A_32, %get3A_33] : memref<1x1024x1024xf32, #tpu.memory_space<vmem>>, vector<1x1024x1024xf32>
    %get3A_35 = vector.shape_cast %get3A_34 : vector<1x1024x1024xf32> to vector<1024x1024xf32>
    %convert_element_type3A_36 = arith.truncf %get3A_35 : vector<1024x1024xf32> to vector<1024x1024xbf16>
    %convert_element_type3A_37 = arith.truncf %mul3A_30 : vector<640x1024xf32> to vector<640x1024xbf16>
    %dot_general3A_38 = arith.constant dense<0.000000e+00> : vector<640x1024xf32>
    %dot_general3A_39 = tpu.matmul %convert_element_type3A_37, %convert_element_type3A_36, %dot_general3A_38 {dimension_numbers = #tpu.dot_dimension_numbers<[1], [1], [0], [0], [0, 0, 1, 0], [], []>, transpose_lhs_hint = false} : vector<640x1024xbf16>, vector<1024x1024xbf16>, vector<640x1024xf32> -> vector<640x1024xf32>
    %eq3A_40 = arith.constant 0 : i32
    %eq3A_41 = arith.cmpi eq, %arg1, %eq3A_40 : i32
    %convert_element_type3A_42 = arith.extui %eq3A_41 : i1 to i32
    %cond3A_43 = arith.constant 0 : i32
    %cond3A_44 = arith.cmpi ne, %convert_element_type3A_42, %cond3A_43 : i32
    scf.if %cond3A_44 {
      %get3A_49 = arith.constant 0 : index
      %get3A_50 = arith.constant 0 : index
      %get3A_51 = arith.constant 0 : index
      %get3A_52 = vector.load %arg6[%get3A_49, %get3A_50, %get3A_51] : memref<1x1x1024xf32, #tpu.memory_space<vmem>>, vector<1x1x1024xf32>
      %get3A_53 = vector.shape_cast %get3A_52 : vector<1x1x1024xf32> to vector<1x1024xf32>
      %add3A_54 = vector.broadcast %get3A_53 : vector<1x1024xf32> to vector<640x1024xf32>
      %add3A_55 = arith.addf %dot_general3A_39, %add3A_54 : vector<640x1024xf32>
      %swap3A = arith.constant 0 : index
      %swap3A_56 = arith.constant 0 : index
      %swap3A_57 = vector.load %arg7[%swap3A, %swap3A_56] : memref<640x1024xf32, #tpu.memory_space<vmem>>, vector<640x1024xf32>
      tpu.vector_store %arg7[%swap3A, %swap3A_56], %add3A_55 {strides = array<i32>} : memref<640x1024xf32, #tpu.memory_space<vmem>>, vector<640x1024xf32>,
    } else {
    }
    %ne3A = arith.constant 0 : i32
    %ne3A_45 = arith.cmpi ne, %arg1, %ne3A : i32
    %convert_element_type3A_46 = arith.extui %ne3A_45 : i1 to i32
    %cond3A_47 = arith.constant 0 : i32
    %cond3A_48 = arith.cmpi ne, %convert_element_type3A_46, %cond3A_47 : i32
    scf.if %cond3A_48 {
      %get3A_49 = arith.constant 0 : index
      %get3A_50 = arith.constant 0 : index
      %get3A_51 = vector.load %arg7[%get3A_49, %get3A_50] : memref<640x1024xf32, #tpu.memory_space<vmem>>, vector<640x1024xf32>
      %add3A_52 = arith.addf %get3A_51, %dot_general3A_39 : vector<640x1024xf32>
      %swap3A = arith.constant 0 : index
      %swap3A_53 = arith.constant 0 : index
      %swap3A_54 = vector.load %arg7[%swap3A, %swap3A_53] : memref<640x1024xf32, #tpu.memory_space<vmem>>, vector<640x1024xf32>
      tpu.vector_store %arg7[%swap3A, %swap3A_53], %add3A_52 {strides = array<i32>} : memref<640x1024xf32, #tpu.memory_space<vmem>>, vector<640x1024xf32>,
    } else {
    }
    return
  }
  func.func @transform_0(%arg0: i32, %arg1: i32) -> (i32, i32) {
    %c0_i32 = arith.constant 0 : i32
    %c0_i32_0 = arith.constant 0 : i32
    return %arg0, %c0_i32 : i32, i32
  }
  func.func @transform_1(%arg0: i32, %arg1: i32) -> (i32, i32, i32) {
    %c0_i32 = arith.constant 0 : i32
    %c0_i32_0 = arith.constant 0 : i32
    return %arg0, %arg1, %c0_i32 : i32, i32, i32
  }
  func.func @transform_2(%arg0: i32, %arg1: i32) -> (i32, i32, i32) {
    %c0_i32 = arith.constant 0 : i32
    %c0_i32_0 = arith.constant 0 : i32
    return %arg0, %c0_i32, %arg1 : i32, i32, i32
  }
  func.func @transform_3(%arg0: i32, %arg1: i32) -> (i32, i32, i32) {
    %c0_i32 = arith.constant 0 : i32
    %c0_i32_0 = arith.constant 0 : i32
    return %arg0, %c0_i32, %arg1 : i32, i32, i32
  }
  func.func @transform_4(%arg0: i32, %arg1: i32) -> (i32, i32, i32) {
    %c0_i32 = arith.constant 0 : i32
    %c0_i32_0 = arith.constant 0 : i32
    %c0_i32_1 = arith.constant 0 : i32
    return %arg0, %c0_i32, %c0_i32_0 : i32, i32, i32
  }
  func.func @transform_5(%arg0: i32, %arg1: i32) -> (i32, i32) {
    %c0_i32 = arith.constant 0 : i32
    %c0_i32_0 = arith.constant 0 : i32
    return %arg0, %c0_i32 : i32, i32
  }
}

</mosaic_0001>

<sc_bundles>
// kernel: kernel.10.cloned.1.call-start
scs
__scs_entry_jumppad:
0x0: {  	(pc) =	sbr.rel $0x88, $3  }
0x1: {  	(tag) =	ssettag $0x0;
	lr =	simm.s32 $0x1  }
0x2: {  	[smem:$0x3F9B] =	sst lr;
	_ =	strace $0xD0000000  }
0x3: {  	_ = 	snop  }
0x4: {  	_ = 	snop  }
0x5: {  	_ = 	snop  }
0x6: {  	_ = 	snop  }
0x7: {  	_ = 	snop  }
__scs_overlays_trampoline_lowered:
0x8: {  	[smem:$0x3FAA] =	sst s0  }
0x9: {  	[smem:$0x3FAB] =	sst s1  }
0xa: {  	[smem:$0x3FAC] =	sst s2  }
0xb: {  	[smem:$0x3FAD] =	sst s3  }
0xc: {  	[smem:$0x3FAE] =	sst s4  }
0xd: {  	[smem:$0x3FAF] =	sst s5  }
0xe: {  	[smem:$0x3FB0] =	sst s6  }
0xf: {  	[smem:$0x3FB1] =	sst s7  }
0x10: {  	[smem:$0x3FB2] =	sst s8  }
0x11: {  	[smem:$0x3FB3] =	sst s9;
	s0 =	simm.s32 @!p0 $0x0  }
0x12: {  	s1 =	sld [smem:$0x3F99];
	s0 =	simm.s32 @p0 $0x1  }
0x13: {  	[smem:$0x3FB4] =	sst s0;
	s0 =	simm.s32 @!p1 $0x0  }
0x14: {  	s2 =	sld [smem:$0x3F98];
	s0 =	simm.s32 @p1 $0x1  }
0x15: {  	[smem:$0x3FB5] =	sst s0;
	s0 =	simm.s32 @!p2 $0x0  }
0x16: {  	s3 =	sld [smem:$0x3FDB];
	s0 =	simm.s32 @p2 $0x1  }
0x17: {  	s4 =	simm.s32 $0x1BF5;
	[smem:$0x3FB7] =	sst s0  }
0x18: {  	s0 =	sld [smem:$0x3F9A];
	_ =	swait.ge [sflag:s4], $0x0  }
0x19: {  	s7 =	sld [smem:$0x3F9B]  }
0x1a: {  	s8 =	sadd.s32 $0xFFFFE003, lr  }
0x1b: {  	s9 =	sadd.s32 $0xFFFFFEF7, lr;
	s5 =	simm.s32 $0xFFFFFFFF;
	p2 =	slt.u32 s8, $0xFFFFF086  }
0x1c: {  	p1 =	slt.u32 s9, $0xF7A;
	s5 =	simm.s32 @!p2 $0x0  }
0x1d: {  	s5 =	simm.s32 @p1 $0x1;
	p0 =	seq.s32 s7, s2  }
0x1e: {  	s7 =	smul.u32 @!p0 $0xF7A, s2;
	p2 =	seq.s32 @!p0 s5, $0x0  }
0x1f: {  	s9 =	smul.u32 $0xF7A, s1;
	s8 =	simm.s32 @!p0 $0x1BF5;
	p2 =	por !p2, p0  }
0x20: {  	[sflag:s8] =	ssyncset.s32 @!p0 $0xFFFFF086;
	s6 =	sadd.s32 @!p0 s3, s7;
	s7 =	simm.s32 @!p0 $0x108  }
0x21: {  	s3 =	sadd.s32 s3, s9;
	s6 =	sadd.s32 @!p0 $0x88, s6;
	s7 =	simm.s32 @p2 $0x1082  }
0x22: {  	[simem:s7], [sflag:s8] =	dma.local @!p0 [hbm:s6], $0xF7A  }
0x23: {  	s9 =	sor.u32 $0xD0000000, s2;
	s6 =	simm.s32 $0x108;
	_ =	swait.ge @!p0 [sflag:s8], $0x0  }
0x24: {  	s3 =	sadd.s32 $0x88, s3;
	s6 =	simm.s32 @!p1 $0x1082;
	[sflag:s4] =	ssyncset.s32 $0xFFFFF086  }
0x25: {  	[simem:s6], [sflag:s4] =	dma.local [hbm:s3], $0xF7A  }
0x26: {  	[smem:$0x3F9B] =	sst s1;
	(tag) =	ssettag s2;
	_ =	strace s9  }
0x27: {  	s1 =	sld [smem:$0x3FAB]  }
0x28: {  	s2 =	sld [smem:$0x3FAC]  }
0x29: {  	s4 =	sld [smem:$0x3FAE]  }
0x2a: {  	p0 =	seq.s32 s5, $0x0;
	s5 =	sld [smem:$0x3FAF]  }
0x2b: {  	s6 =	sld [smem:$0x3FB0]  }
0x2c: {  	s7 =	sld [smem:$0x3FB1]  }
0x2d: {  	s3 =	simm.s32 $0x108;
	s8 =	sld [smem:$0x3FB2]  }
0x2e: {  	s3 =	simm.s32 @!p0 $0x1082;
	s9 =	sld [smem:$0x3FB3]  }
0x2f: {  	lr =	sadd.s32 s0, s3;
	s0 =	sld [smem:$0x3FAA]  }
0x30: {  	s3 =	sld [smem:$0x3FAD]  }
0x31: {  	[smem:$0x3FB6] =	sst s10  }
0x32: {  	s10 =	sld [smem:$0x3FB4];
	_ =	sdelay $0x3  }
0x33: {  	p0 =	seq.s32 s10, $0x1;
	s10 =	sld [smem:$0x3FB6];
	_ =	sdelay $0x3  }
0x34: {  	[smem:$0x3FB6] =	sst s10  }
0x35: {  	s10 =	sld [smem:$0x3FB5];
	_ =	sdelay $0x3  }
0x36: {  	p1 =	seq.s32 s10, $0x1;
	s10 =	sld [smem:$0x3FB6];
	_ =	sdelay $0x3  }
0x37: {  	[smem:$0x3FB6] =	sst s10  }
0x38: {  	s10 =	sld [smem:$0x3FB7]  }
0x39: {  	_ = 	snop;
	(pc) =	sbr.ind lr, $3  }
0x3a: {  	_ = 	snop  }
0x3b: {  	_ = 	snop  }
0x3c: {  	p2 =	seq.s32 s10, $0x1;
	s10 =	sld [smem:$0x3FB6]  }
0x3d: {  	_ =	shalt  }
0x3e: {  	_ =	shalt  }
0x3f: {  	_ =	shalt  }
0x40: {  	_ =	shalt  }
0x41: {  	_ =	shalt  }
0x42: {  	_ =	shalt  }
0x43: {  	_ =	shalt  }
0x44: {  	_ =	shalt  }
0x45: {  	_ =	shalt  }
0x46: {  	_ =	shalt  }
0x47: {  	_ =	shalt  }
0x48: {  	_ =	shalt  }
0x49: {  	_ =	shalt  }
0x4a: {  	_ =	shalt  }
0x4b: {  	_ =	shalt  }
0x4c: {  	_ =	shalt  }
0x4d: {  	_ =	shalt  }
0x4e: {  	_ =	shalt  }
0x4f: {  	_ =	shalt  }
0x50: {  	_ =	shalt  }
0x51: {  	_ =	shalt  }
0x52: {  	_ =	shalt  }
0x53: {  	_ =	shalt  }
0x54: {  	_ =	shalt  }
0x55: {  	_ =	shalt  }
0x56: {  	_ =	shalt  }
0x57: {  	_ =	shalt  }
0x58: {  	_ =	shalt  }
0x59: {  	_ =	shalt  }
0x5a: {  	_ =	shalt  }
0x5b: {  	_ =	shalt  }
0x5c: {  	_ =	shalt  }
0x5d: {  	_ =	shalt  }
0x5e: {  	_ =	shalt  }
0x5f: {  	_ =	shalt  }
0x60: {  	_ =	shalt  }
0x61: {  	_ =	shalt  }
0x62: {  	_ =	shalt  }
0x63: {  	_ =	shalt  }
0x64: {  	_ =	shalt  }
0x65: {  	_ =	shalt  }
0x66: {  	_ =	shalt  }
0x67: {  	_ =	shalt  }
0x68: {  	_ =	shalt  }
0x69: {  	_ =	shalt  }
0x6a: {  	_ =	shalt  }
0x6b: {  	_ =	shalt  }
0x6c: {  	_ =	shalt  }
0x6d: {  	_ =	shalt  }
0x6e: {  	_ =	shalt  }
0x6f: {  	_ =	shalt  }
0x70: {  	_ =	shalt  }
0x71: {  	_ =	shalt  }
0x72: {  	_ =	shalt  }
0x73: {  	_ =	shalt  }
0x74: {  	_ =	shalt  }
0x75: {  	_ =	shalt  }
0x76: {  	_ =	shalt  }
0x77: {  	_ =	shalt  }
0x78: {  	_ =	shalt  }
0x79: {  	_ =	shalt  }
0x7a: {  	_ =	shalt  }
0x7b: {  	_ =	shalt  }
0x7c: {  	_ =	shalt  }
0x7d: {  	_ =	shalt  }
0x7e: {  	_ =	shalt  }
0x7f: {  	_ =	shalt  }
0x80: {  	_ =	shalt  }
0x81: {  	_ =	shalt  }
0x82: {  	_ =	shalt  }
0x83: {  	_ =	shalt  }
0x84: {  	_ =	shalt  }
0x85: {  	_ =	shalt  }
0x86: {  	_ =	shalt  }
0x87: {  	_ =	shalt  }
.Lfunc_end0:
.L_simem_size_0:
called_computation.1_lowered:
.L_overlay_start_0:
0x88: {  	s2 =	sld [smem:$0x3FD9]  }
0x89: {  	s3 =	sld [smem:$0x3FFE];
	_ =	sdelay $0x1  }
0x8a: {  	s1 =	srdreg.scid  }
0x8b: {  	s0 =	sand.u32 $0x1, s1  }
0x8c: {  	s14 =	sshll.u32 s0, $0xA;
	s2 =	sadd.s32 s3, s2  }
0x8d: {  	s2 =	sadd.s32 s2, s14  }
0x8e: {  	[smem:$0x3FC2] =	sst s2  }
0x8f: {  	_ = 	snop  }
0x90: {  	s2 =	sld [smem:$0x3FD0];
	_ =	sdelay $0x2  }
0x91: {  	s15 =	simm.s32 $0xA;
	s4 =	simm.s32 $0x10  }
0x92: {  	[smem:s4], [sflag:s15] =	dma.local [hbm:s2], $0x1  }
0x93: {  	_ =	swait.eq [sflag:s15], $0x1  }
0x94: {  	[sflag:s15] =	ssyncset.done $0x0  }
0x95: {  	[sflag:s15] =	ssyncadd.s32 $0xFFFFFFFF  }
0x96: {  	s16 =	sld [smem:$0x10];
	(tm) =	ssettm $0x1  }
0x97: {  	s17 =	sld [smem:$0x3FFB];
	_ =	sdelay $0x3  }
0x98: {  	_ =	strace s17  }
0x99: {  	s3 =	sld [smem:$0x3FFC];
	_ =	sdelay $0x3  }
0x9a: {  	_ =	strace s3  }
0x9b: {  	s3 =	sld [smem:$0x3FFD];
	_ =	sdelay $0x3  }
0x9c: {  	_ =	strace s3  }
0x9d: {  	_ =	strace $0x8FFFFFFF  }
0x9e: {  	s18 =	sld [smem:$0x3FDB];
	_ =	sdelay $0x1  }
0x9f: {  	s19 =	simm.s32 $_scs_section_size  }
0xa0: {  	s5 =	simm.s32 $_size__tile_overlayer_lowered;
	s6 =	simm.s32 $_tile_overlayer_lowered  }
0xa1: {  	s22 =	simm.s32 $0x1BFF;
	s21 =	sshll.u32 s6, $0x1;
	s3 =	sadd.s32 s19, s18  }
0xa2: {  	s7 =	simm.s32 $0x0;
	s20 =	sshll.u32 s5, $0x1;
	s5 =	sadd.s32 s21, s3  }
0xa3: {  	[timem:s7], [sflag:s22] =	dma.local [hbm:s5], s20  }
0xa4: {  	_ =	swait.ge [sflag:s22], s20  }
0xa5: {  	s4 =	ssub.s32 $0x0, s20;
	[sflag:s22] =	ssyncset.done $0x0  }
0xa6: {  	[sflag:s22] =	ssyncadd.s32 s4;
	_ =	sdelay $0x1  }
0xa7: {  	s23 =	simm.s32 $0x1B8B  }
0xa8: {  	_ =	swait.ge [sflag:s23], $0x1  }
0xa9: {  	[sflag:s23] =	ssyncset.done $0x0  }
0xaa: {  	s25 =	simm.s32 $0x1B8E;
	s24 =	sld [smem:$0x3FFE];
	[sflag:s23] =	ssyncadd.s32 $0xFFFFFFFF  }
0xab: {  	s26 =	simm.s32 $execute0_lowered;
	[smem:$0x3FD2] =	sst s25  }
0xac: {  	s5 =	sshll.u32 s26, $0x1;
	_ =	strace $0x80000049;
	[dreg:$0x1] =	wrdreg $0xFFFFFFFF  }
0xad: {  	s28 =	simm.s32 $_size_execute0_lowered;
	s3 =	sadd.s32 s3, s5;
	[dreg:$0x0] =	wrdreg $0x0  }
0xae: {  	s5 =	sshll.u32 s28, $0x1;
	[dreg:$0x2] =	wrdreg s3  }
0xaf: {  	[dreg:$0x3] =	wrdreg s5  }
0xb0: {  	[dreg:$0x4] =	wrdreg $0xC0  }
0xb1: {  	_ =	task [dreg:s7], $0x5FFFF  }
0xb2: {  	[dreg:$0x1] =	wrdreg $0xFFFFFFFF  }
0xb3: {  	[dreg:$0x0] =	wrdreg $0x60  }
0xb4: {  	[dreg:$0x2] =	wrdreg s24  }
0xb5: {  	[dreg:$0x3] =	wrdreg s16  }
0xb6: {  	[dreg:$0x4] =	wrdreg $0x9  }
0xb7: {  	_ =	task.clear_ibuf [dreg:s7], $0x5FFFF;
	_ =	strace $0x90000049  }
0xb8: {  	s29 =	simm.s32 $0x9;
	_ =	strace $0x8000004B  }
0xb9: {  	_ =	swait.ge [sflag:s29], $0x1  }
0xba: {  	[sflag:s29] =	ssyncadd.s32 $0xFFFFFFFF  }
0xbb: {  	_ =	strace $0x9000004B  }
0xbc: {  	_ =	sfence  }
0xbd: {  	s30 =	sld [smem:$0x0];
	_ =	sdelay $0x2  }
0xbe: {  	s31 =	sshll.u32 s1, $0xD;
	s1 =	sshrl.u32 s1, $0x2  }
0xbf: {  	s3 =	sand.u32 $0x4000, s31;
	s1 =	sadd.s32 s1, s30  }
0xc0: {  	s0 =	sor.u32 s3, s0;
	s1 =	sshll.u32 s1, $0x11  }
0xc1: {  	s0 =	sor.u32 s1, s0  }
0xc2: {  	s0 =	sadd.s32 $0x8F2B, s0  }
0xc3: {  	[sflag:s0] =	ssyncadd.remote.s32 $0x1  }
0xc4: {  	_ =	sfence.sel $0xFFFF  }
0xc5: {  	[dreg:$0x0] =	wrdreg $0xFFFFFFFF;
	(pc) =	sbr.abs _section_cstart, $3  }
0xc6: {  	[dreg:$0x1] =	wrdreg $0xFFFFFFFF  }
0xc7: {  	_ =	task.clear_ibuf [dreg:s7], $0x2FFFF;
	_ =	strace $0x9FFFFFFF  }
0xc8: {  	(tm) =	ssettm $0x7FFFFFFF  }
0xc9: {  	_ =	shalt  }
tec
execute0_lowered:
.L_overlay_start_1:
0x0: {  	(tag) =	ssettag $0x1  }
0x1: {  	s0 =	rddreg [dreg:$0x0]  }
0x2: {  	s12 =	rddreg [dreg:$0x1]  }
0x3: {  	s3 =	srdreg.scid;
	s2 =	simm.s32 $0x0;
	s1 =	stileid.u32  }
0x4: {  	s15 =	simm.s32 $0x80;
	s16 =	simm.s32 $0x880;
	s17 =	simm.s32 $0x1080  }
0x5: {  	s18 =	simm.s32 $0x1880;
	s28 =	simm.s32 $0x6080;
	s29 =	simm.s32 $0x6880  }
0x6: {  	s30 =	simm.s32 $0x7080;
	s31 =	simm.s32 $0x7880;
	s3 =	sand.u32 $0x1, s3  }
0x7: {  	[smem:$0x7FF] =	sst s2;
	s4 =	sshll.u32 s1, $0x8;
	s11 =	sadd.s32 $0x120E00, s0  }
0x8: {  	s5 =	sshll.u32 s3, $0x7;
	_ =	strace $0x8000004A;
	s19 =	ssub.s32 $0x2, s3  }
0x9: {  	s3 =	sadd.s32 $0xA00, s0;
	s10 =	sor.u32 s5, s4;
	s6 =	sshrl.u32 s19, $0x1  }
0xa: {  	s4 =	sadd.s32 $0xB00, s0;
	s5 =	sshrl.u32 s10, $0x3;
	s13 =	ssub.s32 s19, s6  }
0xb: {  	s20 =	sshll.u32 s10, $0x7;
	s6 =	sadd.s32 $0xD00, s0;
	s21 =	sor.u32 $0x20, s10  }
0xc: {  	s14 =	sor.u32 $0x40, s10;
	s25 =	sor.u32 $0x60, s10;
	s19 =	simm.s32 $0x2080  }
0xd: {  	s5 =	sadd.s32 s11, s5;
	s7 =	sadd.s32 s12, s20;
	s22 =	sshrl.u32 s21, $0x3  }
0xe: {  	s23 =	sshrl.u32 s14, $0x3;
	s24 =	sshll.u32 s14, $0x7;
	s26 =	sshrl.u32 s25, $0x3  }
0xf: {  	s14 =	sshll.u32 s25, $0x7;
	s13 =	smax.u32 s13, $0x1;
	s20 =	simm.s32 $0x2880  }
0x10: {  	s25 =	simm.s32 $0x5080;
	[dreg:$0x3] =	wrdreg s5;
	s5 =	sadd.s32 $0xC00, s0  }
0x11: {  	[dreg:$0x4] =	wrdreg s7;
	s0 =	sshll.u32 s21, $0x7;
	s7 =	sadd.s32 s11, s22  }
0x12: {  	s9 =	sadd.s32 s11, s23;
	s10 =	sadd.s32 s12, s24;
	s11 =	sadd.s32 s11, s26  }
0x13: {  	v2 =	vlaneseq.u32;
	s21 =	simm.s32 $0x3080;
	s22 =	simm.s32 $0x3880;
	s23 =	simm.s32 $0x4080  }
0x14: {  	vm0 =	vmmov $0xffff;
	v1 =	vshrl.u32 v2, $0x3;
	s24 =	simm.s32 $0x4880;
	s26 =	simm.s32 $0x5880;
	s8 =	sadd.s32 s12, s0  }
0x15: {  	v0 =	vand.u32 $0x7, v2;
	v2 =	vor.u32 $0x8, v2;
	v1 =	vmul.u32 $0x8, v1;
	s12 =	sadd.s32 s12, s14;
	s14 =	simm.s32 $0x2;
	s0 =	simm.s32 $0x1  }
.LBB2_1:
0x16: {  	s1 =	rddreg [dreg:$0x3]  }
0x17: {  	[tilespmem:s2], [sflag:$0x2] =	stream.linear.gather [hbm4b:s1+s2], $0x20, $0x38;
	[tilespmem:$0x8080] =	vst v63  }
0x18: {  	_ =	swait.ge [sflag:s14], $0x20  }
0x19: {  	[sflag:s14] =	ssyncset.done $0x0  }
0x1a: {  	[sflag:s14] =	ssyncadd.s32 $0xFFFFFFE0  }
0x1b: {  	v3 =	vld [tilespmem:$0x0];
	_ =	sdelay $0x4  }
0x1c: {  	v4 =	vshll.u32 v3, $0x3  }
0x1d: {  	v3 =	vand.u32 $0x7, v3;
	v4 =	vand.u32 $0xFFFFFFC0, v4  }
0x1e: {  	v3 =	vor.u32 v3, v4  }
0x1f: {  	v4 =	vperm.xlane v3, v0;
	_ =	sdelay $0x1  }
0x20: {  	v4 =	vadd.s32 v1, v4;
	_ =	sdelay $0x4  }
0x21: {  	[tilespmem:s15], [sflag:$0x1] =	stream.indirect_vreg.gather [hbm4b:s3+s2], $0x80, v4, vm0, $0xb8;
	[tilespmem:$0x8080] =	vst v63  }
0x22: {  	v3 =	vperm.xlane v3, v2  }
0x23: {  	[tilespmem:s16], [sflag:$0x1] =	stream.indirect_vreg.gather [hbm4b:s4+s2], $0x80, v4, vm0, $0xb8;
	[tilespmem:$0x8080] =	vst v63  }
0x24: {  	v3 =	vadd.s32 v1, v3  }
0x25: {  	[tilespmem:s17], [sflag:$0x1] =	stream.indirect_vreg.gather [hbm4b:s5+s2], $0x80, v4, vm0, $0xb8;
	[tilespmem:$0x8080] =	vst v63  }
0x26: {  	_ = 	snop  }
0x27: {  	[tilespmem:s18], [sflag:$0x1] =	stream.indirect_vreg.gather [hbm4b:s6+s2], $0x80, v4, vm0, $0xb8;
	[tilespmem:$0x8080] =	vst v63  }
0x28: {  	_ = 	snop  }
0x29: {  	[tilespmem:s19], [sflag:$0x1] =	stream.indirect_vreg.gather [hbm4b:s3+s2], $0x80, v3, vm0, $0xb8;
	[tilespmem:$0x8080] =	vst v63  }
0x2a: {  	_ = 	snop  }
0x2b: {  	[tilespmem:s20], [sflag:$0x1] =	stream.indirect_vreg.gather [hbm4b:s4+s2], $0x80, v3, vm0, $0xb8;
	[tilespmem:$0x8080] =	vst v63  }
0x2c: {  	_ = 	snop  }
0x2d: {  	[tilespmem:s21], [sflag:$0x1] =	stream.indirect_vreg.gather [hbm4b:s5+s2], $0x80, v3, vm0, $0xb8;
	[tilespmem:$0x8080] =	vst v63  }
0x2e: {  	_ = 	snop  }
0x2f: {  	[tilespmem:s22], [sflag:$0x1] =	stream.indirect_vreg.gather [hbm4b:s6+s2], $0x80, v3, vm0, $0xb8;
	[tilespmem:$0x8080] =	vst v63  }
0x30: {  	v3 =	vld [tilespmem:$0x10];
	_ =	sdelay $0x4  }
0x31: {  	v57 =	vshll.u32 v3, $0x3  }
0x32: {  	v3 =	vand.u32 $0x7, v3;
	v4 =	vand.u32 $0xFFFFFFC0, v57  }
0x33: {  	v3 =	vor.u32 v3, v4  }
0x34: {  	v4 =	vperm.xlane v3, v0;
	_ =	sdelay $0x1  }
0x35: {  	v4 =	vadd.s32 v1, v4;
	_ =	sdelay $0x4  }
0x36: {  	[tilespmem:s23], [sflag:$0x1] =	stream.indirect_vreg.gather [hbm4b:s3+s2], $0x80, v4, vm0, $0xb8;
	[tilespmem:$0x8080] =	vst v63  }
0x37: {  	v3 =	vperm.xlane v3, v2  }
0x38: {  	[tilespmem:s24], [sflag:$0x1] =	stream.indirect_vreg.gather [hbm4b:s4+s2], $0x80, v4, vm0, $0xb8;
	[tilespmem:$0x8080] =	vst v63  }
0x39: {  	v3 =	vadd.s32 v1, v3  }
0x3a: {  	[tilespmem:s25], [sflag:$0x1] =	stream.indirect_vreg.gather [hbm4b:s5+s2], $0x80, v4, vm0, $0xb8;
	[tilespmem:$0x8080] =	vst v63  }
0x3b: {  	_ = 	snop  }
0x3c: {  	[tilespmem:s26], [sflag:$0x1] =	stream.indirect_vreg.gather [hbm4b:s6+s2], $0x80, v4, vm0, $0xb8;
	[tilespmem:$0x8080] =	vst v63  }
0x3d: {  	_ = 	snop  }
0x3e: {  	[tilespmem:s28], [sflag:$0x1] =	stream.indirect_vreg.gather [hbm4b:s3+s2], $0x80, v3, vm0, $0xb8;
	[tilespmem:$0x8080] =	vst v63  }
0x3f: {  	_ = 	snop  }
0x40: {  	[tilespmem:s29], [sflag:$0x1] =	stream.indirect_vreg.gather [hbm4b:s4+s2], $0x80, v3, vm0, $0xb8;
	[tilespmem:$0x8080] =	vst v63  }
0x41: {  	_ = 	snop  }
0x42: {  	[tilespmem:s30], [sflag:$0x1] =	stream.indirect_vreg.gather [hbm4b:s5+s2], $0x80, v3, vm0, $0xb8;
	[tilespmem:$0x8080] =	vst v63  }
0x43: {  	_ = 	snop  }
0x44: {  	[tilespmem:s31], [sflag:$0x1] =	stream.indirect_vreg.gather [hbm4b:s6+s2], $0x80, v3, vm0, $0xb8;
	[tilespmem:$0x8080] =	vst v63  }
0x45: {  	_ =	swait.ge [sflag:s0], $0x8000  }
0x46: {  	[sflag:s0] =	ssyncset.done $0x0  }
0x47: {  	s1 =	rddreg [dreg:$0x4];
	[sflag:s0] =	ssyncadd.s32 $0xFFFF8000  }
0x48: {  	[hbm4b:s1+s2] =	stream.linear.scatter [tilespmem:s15], [sflag:$0x2], $0x8000, $0x38;
	[tilespmem:$0x8080] =	vst v63  }
0x49: {  	_ =	swait.ge [sflag:s14], $0x8000  }
0x4a: {  	[sflag:s14] =	ssyncset.done $0x0  }
0x4b: {  	[sflag:s14] =	ssyncadd.s32 $0xFFFF8000  }
0x4c: {  	[tilespmem:s2], [sflag:$0x2] =	stream.linear.gather [hbm4b:s7+s2], $0x20, $0x38;
	[tilespmem:$0x8080] =	vst v63  }
0x4d: {  	_ =	swait.ge [sflag:s14], $0x20  }
0x4e: {  	[sflag:s14] =	ssyncset.done $0x0  }
0x4f: {  	[sflag:s14] =	ssyncadd.s32 $0xFFFFFFE0  }
0x50: {  	v3 =	vld [tilespmem:$0x0];
	_ =	sdelay $0x4  }
0x51: {  	v58 =	vshll.u32 v3, $0x3  }
0x52: {  	v3 =	vand.u32 $0x7, v3;
	v4 =	vand.u32 $0xFFFFFFC0, v58  }
0x53: {  	v3 =	vor.u32 v3, v4  }
0x54: {  	v4 =	vperm.xlane v3, v0;
	_ =	sdelay $0x1  }
0x55: {  	v4 =	vadd.s32 v1, v4;
	_ =	sdelay $0x4  }
0x56: {  	[tilespmem:s15], [sflag:$0x1] =	stream.indirect_vreg.gather [hbm4b:s3+s2], $0x80, v4, vm0, $0xb8;
	[tilespmem:$0x8080] =	vst v63  }
0x57: {  	v3 =	vperm.xlane v3, v2  }
0x58: {  	[tilespmem:s16], [sflag:$0x1] =	stream.indirect_vreg.gather [hbm4b:s4+s2], $0x80, v4, vm0, $0xb8;
	[tilespmem:$0x8080] =	vst v63  }
0x59: {  	v3 =	vadd.s32 v1, v3  }
0x5a: {  	[tilespmem:s17], [sflag:$0x1] =	stream.indirect_vreg.gather [hbm4b:s5+s2], $0x80, v4, vm0, $0xb8;
	[tilespmem:$0x8080] =	vst v63  }
0x5b: {  	_ = 	snop  }
0x5c: {  	[tilespmem:s18], [sflag:$0x1] =	stream.indirect_vreg.gather [hbm4b:s6+s2], $0x80, v4, vm0, $0xb8;
	[tilespmem:$0x8080] =	vst v63  }
0x5d: {  	_ = 	snop  }
0x5e: {  	[tilespmem:s19], [sflag:$0x1] =	stream.indirect_vreg.gather [hbm4b:s3+s2], $0x80, v3, vm0, $0xb8;
	[tilespmem:$0x8080] =	vst v63  }
0x5f: {  	_ = 	snop  }
0x60: {  	[tilespmem:s20], [sflag:$0x1] =	stream.indirect_vreg.gather [hbm4b:s4+s2], $0x80, v3, vm0, $0xb8;
	[tilespmem:$0x8080] =	vst v63  }
0x61: {  	_ = 	snop  }
0x62: {  	[tilespmem:s21], [sflag:$0x1] =	stream.indirect_vreg.gather [hbm4b:s5+s2], $0x80, v3, vm0, $0xb8;
	[tilespmem:$0x8080] =	vst v63  }
0x63: {  	_ = 	snop  }
0x64: {  	[tilespmem:s22], [sflag:$0x1] =	stream.indirect_vreg.gather [hbm4b:s6+s2], $0x80, v3, vm0, $0xb8;
	[tilespmem:$0x8080] =	vst v63  }
0x65: {  	v3 =	vld [tilespmem:$0x10];
	_ =	sdelay $0x4  }
0x66: {  	v59 =	vshll.u32 v3, $0x3  }
0x67: {  	v3 =	vand.u32 $0x7, v3;
	v4 =	vand.u32 $0xFFFFFFC0, v59  }
0x68: {  	v3 =	vor.u32 v3, v4  }
0x69: {  	v4 =	vperm.xlane v3, v0;
	_ =	sdelay $0x1  }
0x6a: {  	v4 =	vadd.s32 v1, v4;
	_ =	sdelay $0x4  }
0x6b: {  	[tilespmem:s23], [sflag:$0x1] =	stream.indirect_vreg.gather [hbm4b:s3+s2], $0x80, v4, vm0, $0xb8;
	[tilespmem:$0x8080] =	vst v63  }
0x6c: {  	v3 =	vperm.xlane v3, v2  }
0x6d: {  	[tilespmem:s24], [sflag:$0x1] =	stream.indirect_vreg.gather [hbm4b:s4+s2], $0x80, v4, vm0, $0xb8;
	[tilespmem:$0x8080] =	vst v63  }
0x6e: {  	v3 =	vadd.s32 v1, v3  }
0x6f: {  	[tilespmem:s25], [sflag:$0x1] =	stream.indirect_vreg.gather [hbm4b:s5+s2], $0x80, v4, vm0, $0xb8;
	[tilespmem:$0x8080] =	vst v63  }
0x70: {  	_ = 	snop  }
0x71: {  	[tilespmem:s26], [sflag:$0x1] =	stream.indirect_vreg.gather [hbm4b:s6+s2], $0x80, v4, vm0, $0xb8;
	[tilespmem:$0x8080] =	vst v63  }
0x72: {  	_ = 	snop  }
0x73: {  	[tilespmem:s28], [sflag:$0x1] =	stream.indirect_vreg.gather [hbm4b:s3+s2], $0x80, v3, vm0, $0xb8;
	[tilespmem:$0x8080] =	vst v63  }
0x74: {  	_ = 	snop  }
0x75: {  	[tilespmem:s29], [sflag:$0x1] =	stream.indirect_vreg.gather [hbm4b:s4+s2], $0x80, v3, vm0, $0xb8;
	[tilespmem:$0x8080] =	vst v63  }
0x76: {  	_ = 	snop  }
0x77: {  	[tilespmem:s30], [sflag:$0x1] =	stream.indirect_vreg.gather [hbm4b:s5+s2], $0x80, v3, vm0, $0xb8;
	[tilespmem:$0x8080] =	vst v63  }
0x78: {  	_ = 	snop  }
0x79: {  	[tilespmem:s31], [sflag:$0x1] =	stream.indirect_vreg.gather [hbm4b:s6+s2], $0x80, v3, vm0, $0xb8;
	[tilespmem:$0x8080] =	vst v63  }
0x7a: {  	_ =	swait.ge [sflag:s0], $0x8000  }
0x7b: {  	[sflag:s0] =	ssyncset.done $0x0  }
0x7c: {  	[sflag:s0] =	ssyncadd.s32 $0xFFFF8000  }
0x7d: {  	[hbm4b:s8+s2] =	stream.linear.scatter [tilespmem:s15], [sflag:$0x2], $0x8000, $0x38;
	[tilespmem:$0x8080] =	vst v63  }
0x7e: {  	_ =	swait.ge [sflag:s14], $0x8000  }
0x7f: {  	[sflag:s14] =	ssyncset.done $0x0  }
0x80: {  	[sflag:s14] =	ssyncadd.s32 $0xFFFF8000  }
0x81: {  	[tilespmem:s2], [sflag:$0x2] =	stream.linear.gather [hbm4b:s9+s2], $0x20, $0x38;
	[tilespmem:$0x8080] =	vst v63  }
0x82: {  	_ =	swait.ge [sflag:s14], $0x20  }
0x83: {  	[sflag:s14] =	ssyncset.done $0x0  }
0x84: {  	[sflag:s14] =	ssyncadd.s32 $0xFFFFFFE0  }
0x85: {  	v3 =	vld [tilespmem:$0x0];
	_ =	sdelay $0x4  }
0x86: {  	v60 =	vshll.u32 v3, $0x3  }
0x87: {  	v3 =	vand.u32 $0x7, v3;
	v4 =	vand.u32 $0xFFFFFFC0, v60  }
0x88: {  	v3 =	vor.u32 v3, v4  }
0x89: {  	v4 =	vperm.xlane v3, v0;
	_ =	sdelay $0x1  }
0x8a: {  	v4 =	vadd.s32 v1, v4;
	_ =	sdelay $0x4  }
0x8b: {  	[tilespmem:s15], [sflag:$0x1] =	stream.indirect_vreg.gather [hbm4b:s3+s2], $0x80, v4, vm0, $0xb8;
	[tilespmem:$0x8080] =	vst v63  }
0x8c: {  	v3 =	vperm.xlane v3, v2  }
0x8d: {  	[tilespmem:s16], [sflag:$0x1] =	stream.indirect_vreg.gather [hbm4b:s4+s2], $0x80, v4, vm0, $0xb8;
	[tilespmem:$0x8080] =	vst v63  }
0x8e: {  	v3 =	vadd.s32 v1, v3  }
0x8f: {  	[tilespmem:s17], [sflag:$0x1] =	stream.indirect_vreg.gather [hbm4b:s5+s2], $0x80, v4, vm0, $0xb8;
	[tilespmem:$0x8080] =	vst v63  }
0x90: {  	_ = 	snop  }
0x91: {  	[tilespmem:s18], [sflag:$0x1] =	stream.indirect_vreg.gather [hbm4b:s6+s2], $0x80, v4, vm0, $0xb8;
	[tilespmem:$0x8080] =	vst v63  }
0x92: {  	_ = 	snop  }
0x93: {  	[tilespmem:s19], [sflag:$0x1] =	stream.indirect_vreg.gather [hbm4b:s3+s2], $0x80, v3, vm0, $0xb8;
	[tilespmem:$0x8080] =	vst v63  }
0x94: {  	_ = 	snop  }
0x95: {  	[tilespmem:s20], [sflag:$0x1] =	stream.indirect_vreg.gather [hbm4b:s4+s2], $0x80, v3, vm0, $0xb8;
	[tilespmem:$0x8080] =	vst v63  }
0x96: {  	_ = 	snop  }
0x97: {  	[tilespmem:s21], [sflag:$0x1] =	stream.indirect_vreg.gather [hbm4b:s5+s2], $0x80, v3, vm0, $0xb8;
	[tilespmem:$0x8080] =	vst v63  }
0x98: {  	_ = 	snop  }
0x99: {  	[tilespmem:s22], [sflag:$0x1] =	stream.indirect_vreg.gather [hbm4b:s6+s2], $0x80, v3, vm0, $0xb8;
	[tilespmem:$0x8080] =	vst v63  }
0x9a: {  	v3 =	vld [tilespmem:$0x10];
	_ =	sdelay $0x4  }
0x9b: {  	v61 =	vshll.u32 v3, $0x3  }
0x9c: {  	v3 =	vand.u32 $0x7, v3;
	v4 =	vand.u32 $0xFFFFFFC0, v61  }
0x9d: {  	v3 =	vor.u32 v3, v4  }
0x9e: {  	v4 =	vperm.xlane v3, v0;
	_ =	sdelay $0x1  }
0x9f: {  	v4 =	vadd.s32 v1, v4;
	_ =	sdelay $0x4  }
0xa0: {  	[tilespmem:s23], [sflag:$0x1] =	stream.indirect_vreg.gather [hbm4b:s3+s2], $0x80, v4, vm0, $0xb8;
	[tilespmem:$0x8080] =	vst v63  }
0xa1: {  	v3 =	vperm.xlane v3, v2  }
0xa2: {  	[tilespmem:s24], [sflag:$0x1] =	stream.indirect_vreg.gather [hbm4b:s4+s2], $0x80, v4, vm0, $0xb8;
	[tilespmem:$0x8080] =	vst v63  }
0xa3: {  	v3 =	vadd.s32 v1, v3  }
0xa4: {  	[tilespmem:s25], [sflag:$0x1] =	stream.indirect_vreg.gather [hbm4b:s5+s2], $0x80, v4, vm0, $0xb8;
	[tilespmem:$0x8080] =	vst v63  }
0xa5: {  	_ = 	snop  }
0xa6: {  	[tilespmem:s26], [sflag:$0x1] =	stream.indirect_vreg.gather [hbm4b:s6+s2], $0x80, v4, vm0, $0xb8;
	[tilespmem:$0x8080] =	vst v63  }
0xa7: {  	_ = 	snop  }
0xa8: {  	[tilespmem:s28], [sflag:$0x1] =	stream.indirect_vreg.gather [hbm4b:s3+s2], $0x80, v3, vm0, $0xb8;
	[tilespmem:$0x8080] =	vst v63  }
0xa9: {  	_ = 	snop  }
0xaa: {  	[tilespmem:s29], [sflag:$0x1] =	stream.indirect_vreg.gather [hbm4b:s4+s2], $0x80, v3, vm0, $0xb8;
	[tilespmem:$0x8080] =	vst v63  }
0xab: {  	_ = 	snop  }
0xac: {  	[tilespmem:s30], [sflag:$0x1] =	stream.indirect_vreg.gather [hbm4b:s5+s2], $0x80, v3, vm0, $0xb8;
	[tilespmem:$0x8080] =	vst v63  }
0xad: {  	_ = 	snop  }
0xae: {  	[tilespmem:s31], [sflag:$0x1] =	stream.indirect_vreg.gather [hbm4b:s6+s2], $0x80, v3, vm0, $0xb8;
	[tilespmem:$0x8080] =	vst v63  }
0xaf: {  	_ =	swait.ge [sflag:s0], $0x8000  }
0xb0: {  	[sflag:s0] =	ssyncset.done $0x0  }
0xb1: {  	[sflag:s0] =	ssyncadd.s32 $0xFFFF8000  }
0xb2: {  	[hbm4b:s10+s2] =	stream.linear.scatter [tilespmem:s15], [sflag:$0x2], $0x8000, $0x38;
	[tilespmem:$0x8080] =	vst v63  }
0xb3: {  	_ =	swait.ge [sflag:s14], $0x8000  }
0xb4: {  	[sflag:s14] =	ssyncset.done $0x0  }
0xb5: {  	[sflag:s14] =	ssyncadd.s32 $0xFFFF8000  }
0xb6: {  	[tilespmem:s2], [sflag:$0x2] =	stream.linear.gather [hbm4b:s11+s2], $0x20, $0x38;
	[tilespmem:$0x8080] =	vst v63  }
0xb7: {  	_ =	swait.ge [sflag:s14], $0x20  }
0xb8: {  	[sflag:s14] =	ssyncset.done $0x0  }
0xb9: {  	[sflag:s14] =	ssyncadd.s32 $0xFFFFFFE0  }
0xba: {  	v3 =	vld [tilespmem:$0x0];
	_ =	sdelay $0x4  }
0xbb: {  	v62 =	vshll.u32 v3, $0x3  }
0xbc: {  	v3 =	vand.u32 $0x7, v3;
	v4 =	vand.u32 $0xFFFFFFC0, v62  }
0xbd: {  	v3 =	vor.u32 v3, v4  }
0xbe: {  	v4 =	vperm.xlane v3, v0;
	_ =	sdelay $0x1  }
0xbf: {  	v4 =	vadd.s32 v1, v4;
	_ =	sdelay $0x4  }
0xc0: {  	[tilespmem:s15], [sflag:$0x1] =	stream.indirect_vreg.gather [hbm4b:s3+s2], $0x80, v4, vm0, $0xb8;
	[tilespmem:$0x8080] =	vst v63  }
0xc1: {  	v3 =	vperm.xlane v3, v2  }
0xc2: {  	[tilespmem:s16], [sflag:$0x1] =	stream.indirect_vreg.gather [hbm4b:s4+s2], $0x80, v4, vm0, $0xb8;
	[tilespmem:$0x8080] =	vst v63  }
0xc3: {  	v3 =	vadd.s32 v1, v3  }
0xc4: {  	[tilespmem:s17], [sflag:$0x1] =	stream.indirect_vreg.gather [hbm4b:s5+s2], $0x80, v4, vm0, $0xb8;
	[tilespmem:$0x8080] =	vst v63  }
0xc5: {  	_ = 	snop  }
0xc6: {  	[tilespmem:s18], [sflag:$0x1] =	stream.indirect_vreg.gather [hbm4b:s6+s2], $0x80, v4, vm0, $0xb8;
	[tilespmem:$0x8080] =	vst v63  }
0xc7: {  	_ = 	snop  }
0xc8: {  	[tilespmem:s19], [sflag:$0x1] =	stream.indirect_vreg.gather [hbm4b:s3+s2], $0x80, v3, vm0, $0xb8;
	[tilespmem:$0x8080] =	vst v63  }
0xc9: {  	_ = 	snop  }
0xca: {  	[tilespmem:s20], [sflag:$0x1] =	stream.indirect_vreg.gather [hbm4b:s4+s2], $0x80, v3, vm0, $0xb8;
	[tilespmem:$0x8080] =	vst v63  }
0xcb: {  	_ = 	snop  }
0xcc: {  	[tilespmem:s21], [sflag:$0x1] =	stream.indirect_vreg.gather [hbm4b:s5+s2], $0x80, v3, vm0, $0xb8;
	[tilespmem:$0x8080] =	vst v63  }
0xcd: {  	_ = 	snop  }
0xce: {  	[tilespmem:s22], [sflag:$0x1] =	stream.indirect_vreg.gather [hbm4b:s6+s2], $0x80, v3, vm0, $0xb8;
	[tilespmem:$0x8080] =	vst v63  }
0xcf: {  	v3 =	vld [tilespmem:$0x10];
	_ =	sdelay $0x4  }
0xd0: {  	v63 =	vshll.u32 v3, $0x3  }
0xd1: {  	v3 =	vand.u32 $0x7, v3;
	v4 =	vand.u32 $0xFFFFFFC0, v63  }
0xd2: {  	v3 =	vor.u32 v3, v4  }
0xd3: {  	v4 =	vperm.xlane v3, v0;
	_ =	sdelay $0x1  }
0xd4: {  	v4 =	vadd.s32 v1, v4;
	_ =	sdelay $0x4  }
0xd5: {  	[tilespmem:s23], [sflag:$0x1] =	stream.indirect_vreg.gather [hbm4b:s3+s2], $0x80, v4, vm0, $0xb8;
	[tilespmem:$0x8080] =	vst v63  }
0xd6: {  	v3 =	vperm.xlane v3, v2  }
0xd7: {  	[tilespmem:s24], [sflag:$0x1] =	stream.indirect_vreg.gather [hbm4b:s4+s2], $0x80, v4, vm0, $0xb8;
	[tilespmem:$0x8080] =	vst v63  }
0xd8: {  	v3 =	vadd.s32 v1, v3  }
0xd9: {  	[tilespmem:s25], [sflag:$0x1] =	stream.indirect_vreg.gather [hbm4b:s5+s2], $0x80, v4, vm0, $0xb8;
	[tilespmem:$0x8080] =	vst v63  }
0xda: {  	_ = 	snop  }
0xdb: {  	[tilespmem:s26], [sflag:$0x1] =	stream.indirect_vreg.gather [hbm4b:s6+s2], $0x80, v4, vm0, $0xb8;
	[tilespmem:$0x8080] =	vst v63  }
0xdc: {  	_ = 	snop  }
0xdd: {  	[tilespmem:s28], [sflag:$0x1] =	stream.indirect_vreg.gather [hbm4b:s3+s2], $0x80, v3, vm0, $0xb8;
	[tilespmem:$0x8080] =	vst v63  }
0xde: {  	_ = 	snop  }
0xdf: {  	[tilespmem:s29], [sflag:$0x1] =	stream.indirect_vreg.gather [hbm4b:s4+s2], $0x80, v3, vm0, $0xb8;
	[tilespmem:$0x8080] =	vst v63  }
0xe0: {  	_ = 	snop  }
0xe1: {  	[tilespmem:s30], [sflag:$0x1] =	stream.indirect_vreg.gather [hbm4b:s5+s2], $0x80, v3, vm0, $0xb8;
	[tilespmem:$0x8080] =	vst v63  }
0xe2: {  	_ = 	snop  }
0xe3: {  	[tilespmem:s31], [sflag:$0x1] =	stream.indirect_vreg.gather [hbm4b:s6+s2], $0x80, v3, vm0, $0xb8;
	[tilespmem:$0x8080] =	vst v63  }
0xe4: {  	_ =	swait.ge [sflag:s0], $0x8000  }
0xe5: {  	p0 =	sne.s32 s13, $0x1;
	[sflag:s0] =	ssyncset.done $0x0  }
.Ltmp0:
0xe6: {  	[sflag:s0] =	ssyncadd.s32 $0xFFFF8000;
	(pc) =	sbr.rel @p0 .LBB2_1-.Ltmp0, $4  }
0xe7: {  	[hbm4b:s12+s2] =	stream.linear.scatter [tilespmem:s15], [sflag:$0x2], $0x8000, $0x38;
	[tilespmem:$0x8080] =	vst v63  }
0xe8: {  	_ =	swait.ge [sflag:s14], $0x8000  }
0xe9: {  	[sflag:s14] =	ssyncset.done $0x0  }
0xea: {  	s13 =	sadd.s32 $0xFFFFFFFF, s13;
	[sflag:s14] =	ssyncadd.s32 $0xFFFF8000  }
0xeb: {  	_ =	sfence.sel $0x180000  }
0xec: {  	[bflag:$0x0] =	sbarrier.arrive $0xFFFF  }
0xed: {  	_ =	strace $0x9000004A  }
0xee: {  	s0 =	stileid.u32;
	[bflag:$0x2] =	sbarrier.arrive $0xFFFF  }
0xef: {  	p0 =	sne.s32 s0, $0x0;
	s0 =	rddreg [dreg:$0x2]  }
0xf0: {  	s0 =	sadd.s32 @!p0 $0x100000, s0  }
0xf1: {  	[sflag:s0] =	ssyncadd.tile.s32 @!p0 $0x1;
	_ =	shalt  }
.Lfunc_end2:
_tile_overlayer_lowered:
.L_overlay_start_2:
0xf2: {  	(tag) =	ssettag $0x2  }
0xf3: {  	s0 =	rddreg [dreg:$0x0];
	s2 =	stileid.u32  }
0xf4: {  	s1 =	rddreg [dreg:$0x1];
	p0 =	sne.s32 s2, $0x0  }
0xf5: {  	s3 =	rddreg [dreg:$0x2];
	[bflag:$0x3] =	sbarrier.arrive $0xFFFF;
	s2 =	simm.s32 @!p0 $0x1C02  }
0xf6: {  	[timem:s3], [sflag:s2] =	dma.local @!p0 [hbm:s0], s1  }
0xf7: {  	s0 =	simm.s32 @!p0 $0x2  }
0xf8: {  	_ =	swait.ge @!p0 [sflag:s0], s1  }
0xf9: {  	s1 =	ssub.s32 @!p0 $0x0, s1;
	[sflag:s0] =	ssyncset.done @!p0 $0x0  }
0xfa: {  	[sflag:s0] =	ssyncadd.s32 @!p0 s1  }
0xfb: {  	[bflag:$0x3] =	sbarrier.arrive $0xFFFF  }
0xfc: {  	_ =	shalt  }

// kernel: kernel.7.cloned.1.call-start
scs
__scs_entry_jumppad:
0x0: {  	(pc) =	sbr.rel $0x88, $3  }
0x1: {  	(tag) =	ssettag $0x0;
	lr =	simm.s32 $0x1  }
0x2: {  	[smem:$0x3F9B] =	sst lr;
	_ =	strace $0xD0000000  }
0x3: {  	_ = 	snop  }
0x4: {  	_ = 	snop  }
0x5: {  	_ = 	snop  }
0x6: {  	_ = 	snop  }
0x7: {  	_ = 	snop  }
__scs_overlays_trampoline_lowered:
0x8: {  	[smem:$0x3FAA] =	sst s0  }
0x9: {  	[smem:$0x3FAB] =	sst s1  }
0xa: {  	[smem:$0x3FAC] =	sst s2  }
0xb: {  	[smem:$0x3FAD] =	sst s3  }
0xc: {  	[smem:$0x3FAE] =	sst s4  }
0xd: {  	[smem:$0x3FAF] =	sst s5  }
0xe: {  	[smem:$0x3FB0] =	sst s6  }
0xf: {  	[smem:$0x3FB1] =	sst s7  }
0x10: {  	[smem:$0x3FB2] =	sst s8  }
0x11: {  	[smem:$0x3FB3] =	sst s9;
	s0 =	simm.s32 @!p0 $0x0  }
0x12: {  	s1 =	sld [smem:$0x3F99];
	s0 =	simm.s32 @p0 $0x1  }
0x13: {  	[smem:$0x3FB4] =	sst s0;
	s0 =	simm.s32 @!p1 $0x0  }
0x14: {  	s2 =	sld [smem:$0x3F98];
	s0 =	simm.s32 @p1 $0x1  }
0x15: {  	[smem:$0x3FB5] =	sst s0;
	s0 =	simm.s32 @!p2 $0x0  }
0x16: {  	s3 =	sld [smem:$0x3FDB];
	s0 =	simm.s32 @p2 $0x1  }
0x17: {  	s4 =	simm.s32 $0x1BF5;
	[smem:$0x3FB7] =	sst s0  }
0x18: {  	s0 =	sld [smem:$0x3F9A];
	_ =	swait.ge [sflag:s4], $0x0  }
0x19: {  	s7 =	sld [smem:$0x3F9B]  }
0x1a: {  	s8 =	sadd.s32 $0xFFFFE003, lr  }
0x1b: {  	s9 =	sadd.s32 $0xFFFFFEF7, lr;
	s5 =	simm.s32 $0xFFFFFFFF;
	p2 =	slt.u32 s8, $0xFFFFF086  }
0x1c: {  	p1 =	slt.u32 s9, $0xF7A;
	s5 =	simm.s32 @!p2 $0x0  }
0x1d: {  	s5 =	simm.s32 @p1 $0x1;
	p0 =	seq.s32 s7, s2  }
0x1e: {  	s7 =	smul.u32 @!p0 $0xF7A, s2;
	p2 =	seq.s32 @!p0 s5, $0x0  }
0x1f: {  	s9 =	smul.u32 $0xF7A, s1;
	s8 =	simm.s32 @!p0 $0x1BF5;
	p2 =	por !p2, p0  }
0x20: {  	[sflag:s8] =	ssyncset.s32 @!p0 $0xFFFFF086;
	s6 =	sadd.s32 @!p0 s3, s7;
	s7 =	simm.s32 @!p0 $0x108  }
0x21: {  	s3 =	sadd.s32 s3, s9;
	s6 =	sadd.s32 @!p0 $0x88, s6;
	s7 =	simm.s32 @p2 $0x1082  }
0x22: {  	[simem:s7], [sflag:s8] =	dma.local @!p0 [hbm:s6], $0xF7A  }
0x23: {  	s9 =	sor.u32 $0xD0000000, s2;
	s6 =	simm.s32 $0x108;
	_ =	swait.ge @!p0 [sflag:s8], $0x0  }
0x24: {  	s3 =	sadd.s32 $0x88, s3;
	s6 =	simm.s32 @!p1 $0x1082;
	[sflag:s4] =	ssyncset.s32 $0xFFFFF086  }
0x25: {  	[simem:s6], [sflag:s4] =	dma.local [hbm:s3], $0xF7A  }
0x26: {  	[smem:$0x3F9B] =	sst s1;
	(tag) =	ssettag s2;
	_ =	strace s9  }
0x27: {  	s1 =	sld [smem:$0x3FAB]  }
0x28: {  	s2 =	sld [smem:$0x3FAC]  }
0x29: {  	s4 =	sld [smem:$0x3FAE]  }
0x2a: {  	p0 =	seq.s32 s5, $0x0;
	s5 =	sld [smem:$0x3FAF]  }
0x2b: {  	s6 =	sld [smem:$0x3FB0]  }
0x2c: {  	s7 =	sld [smem:$0x3FB1]  }
0x2d: {  	s3 =	simm.s32 $0x108;
	s8 =	sld [smem:$0x3FB2]  }
0x2e: {  	s3 =	simm.s32 @!p0 $0x1082;
	s9 =	sld [smem:$0x3FB3]  }
0x2f: {  	lr =	sadd.s32 s0, s3;
	s0 =	sld [smem:$0x3FAA]  }
0x30: {  	s3 =	sld [smem:$0x3FAD]  }
0x31: {  	[smem:$0x3FB6] =	sst s10  }
0x32: {  	s10 =	sld [smem:$0x3FB4];
	_ =	sdelay $0x3  }
0x33: {  	p0 =	seq.s32 s10, $0x1;
	s10 =	sld [smem:$0x3FB6];
	_ =	sdelay $0x3  }
0x34: {  	[smem:$0x3FB6] =	sst s10  }
0x35: {  	s10 =	sld [smem:$0x3FB5];
	_ =	sdelay $0x3  }
0x36: {  	p1 =	seq.s32 s10, $0x1;
	s10 =	sld [smem:$0x3FB6];
	_ =	sdelay $0x3  }
0x37: {  	[smem:$0x3FB6] =	sst s10  }
0x38: {  	s10 =	sld [smem:$0x3FB7]  }
0x39: {  	_ = 	snop;
	(pc) =	sbr.ind lr, $3  }
0x3a: {  	_ = 	snop  }
0x3b: {  	_ = 	snop  }
0x3c: {  	p2 =	seq.s32 s10, $0x1;
	s10 =	sld [smem:$0x3FB6]  }
0x3d: {  	_ =	shalt  }
0x3e: {  	_ =	shalt  }
0x3f: {  	_ =	shalt  }
0x40: {  	_ =	shalt  }
0x41: {  	_ =	shalt  }
0x42: {  	_ =	shalt  }
0x43: {  	_ =	shalt  }
0x44: {  	_ =	shalt  }
0x45: {  	_ =	shalt  }
0x46: {  	_ =	shalt  }
0x47: {  	_ =	shalt  }
0x48: {  	_ =	shalt  }
0x49: {  	_ =	shalt  }
0x4a: {  	_ =	shalt  }
0x4b: {  	_ =	shalt  }
0x4c: {  	_ =	shalt  }
0x4d: {  	_ =	shalt  }
0x4e: {  	_ =	shalt  }
0x4f: {  	_ =	shalt  }
0x50: {  	_ =	shalt  }
0x51: {  	_ =	shalt  }
0x52: {  	_ =	shalt  }
0x53: {  	_ =	shalt  }
0x54: {  	_ =	shalt  }
0x55: {  	_ =	shalt  }
0x56: {  	_ =	shalt  }
0x57: {  	_ =	shalt  }
0x58: {  	_ =	shalt  }
0x59: {  	_ =	shalt  }
0x5a: {  	_ =	shalt  }
0x5b: {  	_ =	shalt  }
0x5c: {  	_ =	shalt  }
0x5d: {  	_ =	shalt  }
0x5e: {  	_ =	shalt  }
0x5f: {  	_ =	shalt  }
0x60: {  	_ =	shalt  }
0x61: {  	_ =	shalt  }
0x62: {  	_ =	shalt  }
0x63: {  	_ =	shalt  }
0x64: {  	_ =	shalt  }
0x65: {  	_ =	shalt  }
0x66: {  	_ =	shalt  }
0x67: {  	_ =	shalt  }
0x68: {  	_ =	shalt  }
0x69: {  	_ =	shalt  }
0x6a: {  	_ =	shalt  }
0x6b: {  	_ =	shalt  }
0x6c: {  	_ =	shalt  }
0x6d: {  	_ =	shalt  }
0x6e: {  	_ =	shalt  }
0x6f: {  	_ =	shalt  }
0x70: {  	_ =	shalt  }
0x71: {  	_ =	shalt  }
0x72: {  	_ =	shalt  }
0x73: {  	_ =	shalt  }
0x74: {  	_ =	shalt  }
0x75: {  	_ =	shalt  }
0x76: {  	_ =	shalt  }
0x77: {  	_ =	shalt  }
0x78: {  	_ =	shalt  }
0x79: {  	_ =	shalt  }
0x7a: {  	_ =	shalt  }
0x7b: {  	_ =	shalt  }
0x7c: {  	_ =	shalt  }
0x7d: {  	_ =	shalt  }
0x7e: {  	_ =	shalt  }
0x7f: {  	_ =	shalt  }
0x80: {  	_ =	shalt  }
0x81: {  	_ =	shalt  }
0x82: {  	_ =	shalt  }
0x83: {  	_ =	shalt  }
0x84: {  	_ =	shalt  }
0x85: {  	_ =	shalt  }
0x86: {  	_ =	shalt  }
0x87: {  	_ =	shalt  }
.Lfunc_end0:
.L_simem_size_0:
called_computation_lowered:
.L_overlay_start_0:
0x88: {  	s2 =	sld [smem:$0x3FD9]  }
0x89: {  	s3 =	sld [smem:$0x3FFE];
	_ =	sdelay $0x1  }
0x8a: {  	s1 =	srdreg.scid  }
0x8b: {  	s0 =	sand.u32 $0x1, s1  }
0x8c: {  	s14 =	sshll.u32 s0, $0xA;
	s2 =	sadd.s32 s3, s2  }
0x8d: {  	s2 =	sadd.s32 s2, s14  }
0x8e: {  	[smem:$0x3FC2] =	sst s2  }
0x8f: {  	_ = 	snop  }
0x90: {  	s2 =	sld [smem:$0x3FD0];
	_ =	sdelay $0x2  }
0x91: {  	s4 =	simm.s32 $0xA;
	s5 =	simm.s32 $0x10;
	s15 =	sld [smem:$0x3FC9]  }
0x92: {  	[smem:s5], [sflag:s4] =	dma.local [hbm:s2], $0x1  }
0x93: {  	_ =	swait.eq [sflag:s4], $0x1  }
0x94: {  	[sflag:s4] =	ssyncset.done $0x0  }
0x95: {  	[sflag:s4] =	ssyncadd.s32 $0xFFFFFFFF  }
0x96: {  	s16 =	sld [smem:$0x10];
	(tm) =	ssettm $0x1  }
0x97: {  	s17 =	sld [smem:$0x3FFB];
	_ =	sdelay $0x3  }
0x98: {  	_ =	strace s17  }
0x99: {  	s4 =	sld [smem:$0x3FFC];
	_ =	sdelay $0x3  }
0x9a: {  	_ =	strace s4  }
0x9b: {  	s4 =	sld [smem:$0x3FFD];
	_ =	sdelay $0x3  }
0x9c: {  	_ =	strace s4  }
0x9d: {  	_ =	strace $0x8FFFFFFF  }
0x9e: {  	s18 =	sld [smem:$0x3FDB];
	_ =	sdelay $0x1  }
0x9f: {  	s19 =	simm.s32 $_scs_section_size  }
0xa0: {  	s6 =	simm.s32 $_size__tile_overlayer_lowered;
	s7 =	simm.s32 $_tile_overlayer_lowered  }
0xa1: {  	s22 =	simm.s32 $0x1BFF;
	s21 =	sshll.u32 s7, $0x1;
	s4 =	sadd.s32 s19, s18  }
0xa2: {  	s8 =	simm.s32 $0x0;
	s20 =	sshll.u32 s6, $0x1;
	s6 =	sadd.s32 s21, s4  }
0xa3: {  	[timem:s8], [sflag:s22] =	dma.local [hbm:s6], s20  }
0xa4: {  	_ =	swait.ge [sflag:s22], s20  }
0xa5: {  	s5 =	ssub.s32 $0x0, s20;
	[sflag:s22] =	ssyncset.done $0x0  }
0xa6: {  	[sflag:s22] =	ssyncadd.s32 s5;
	_ =	sdelay $0x1  }
0xa7: {  	s23 =	simm.s32 $0x1B8B  }
0xa8: {  	_ =	swait.ge [sflag:s23], $0x1  }
0xa9: {  	[sflag:s23] =	ssyncset.done $0x0  }
0xaa: {  	s25 =	simm.s32 $0x1B8E;
	s24 =	sld [smem:$0x3FFE];
	[sflag:s23] =	ssyncadd.s32 $0xFFFFFFFF  }
0xab: {  	s26 =	simm.s32 $execute0_lowered;
	[smem:$0x3FD2] =	sst s25  }
0xac: {  	s6 =	sshll.u32 s26, $0x1;
	_ =	strace $0x80000046;
	[dreg:$0x1] =	wrdreg $0xFFFFFFFF  }
0xad: {  	s28 =	simm.s32 $_size_execute0_lowered;
	s4 =	sadd.s32 s4, s6;
	[dreg:$0x0] =	wrdreg $0x0  }
0xae: {  	s6 =	sshll.u32 s28, $0x1;
	[dreg:$0x2] =	wrdreg s4  }
0xaf: {  	[dreg:$0x3] =	wrdreg s6  }
0xb0: {  	[dreg:$0x4] =	wrdreg $0xC0  }
0xb1: {  	_ =	task [dreg:s8], $0x5FFFF  }
0xb2: {  	[dreg:$0x1] =	wrdreg $0xFFFFFFFF  }
0xb3: {  	[dreg:$0x0] =	wrdreg $0x60  }
0xb4: {  	[dreg:$0x2] =	wrdreg s15  }
0xb5: {  	[dreg:$0x3] =	wrdreg s16  }
0xb6: {  	[dreg:$0x4] =	wrdreg s24  }
0xb7: {  	[dreg:$0x5] =	wrdreg $0x9  }
0xb8: {  	_ =	task.clear_ibuf [dreg:s8], $0x6FFFF;
	_ =	strace $0x90000046  }
0xb9: {  	s29 =	simm.s32 $0x9;
	_ =	strace $0x80000048  }
0xba: {  	_ =	swait.ge [sflag:s29], $0x1  }
0xbb: {  	[sflag:s29] =	ssyncadd.s32 $0xFFFFFFFF  }
0xbc: {  	_ =	strace $0x90000048  }
0xbd: {  	_ =	sfence  }
0xbe: {  	s30 =	sld [smem:$0x0];
	_ =	sdelay $0x2  }
0xbf: {  	s31 =	sshll.u32 s1, $0xD;
	s1 =	sshrl.u32 s1, $0x2  }
0xc0: {  	s3 =	sand.u32 $0x4000, s31;
	s1 =	sadd.s32 s1, s30  }
0xc1: {  	s0 =	sor.u32 s3, s0;
	s1 =	sshll.u32 s1, $0x11  }
0xc2: {  	s0 =	sor.u32 s1, s0  }
0xc3: {  	s0 =	sadd.s32 $0x8F2B, s0  }
0xc4: {  	[sflag:s0] =	ssyncadd.remote.s32 $0x1  }
0xc5: {  	_ =	sfence.sel $0xFFFF  }
0xc6: {  	[dreg:$0x0] =	wrdreg $0xFFFFFFFF;
	(pc) =	sbr.abs _section_cstart, $3  }
0xc7: {  	[dreg:$0x1] =	wrdreg $0xFFFFFFFF  }
0xc8: {  	_ =	task.clear_ibuf [dreg:s8], $0x2FFFF;
	_ =	strace $0x9FFFFFFF  }
0xc9: {  	(tm) =	ssettm $0x7FFFFFFF  }
tec
execute0_lowered:
.L_overlay_start_1:
0x0: {  	(tag) =	ssettag $0x1  }
0x1: {  	s0 =	rddreg [dreg:$0x0]  }
0x2: {  	s9 =	rddreg [dreg:$0x1]  }
0x3: {  	s6 =	rddreg [dreg:$0x2];
	s3 =	srdreg.scid  }
0x4: {  	s2 =	simm.s32 $0x0;
	s1 =	stileid.u32;
	s14 =	simm.s32 $0x80  }
0x5: {  	s28 =	simm.s32 $0x6880;
	s29 =	simm.s32 $0x7080;
	s30 =	simm.s32 $0x7880  }
0x6: {  	s31 =	simm.s32 $0x1;
	s3 =	sand.u32 $0x1, s3;
	[smem:$0x7FF] =	sst s2  }
0x7: {  	s4 =	sshll.u32 s1, $0x8;
	s5 =	sshll.u32 s3, $0x7;
	_ =	strace $0x80000047  }
0x8: {  	s7 =	ssub.s32 $0x2, s3;
	s3 =	sadd.s32 $0xA00, s6;
	s8 =	sor.u32 s5, s4  }
0x9: {  	s15 =	sshrl.u32 s7, $0x1;
	s4 =	sadd.s32 $0xB00, s6;
	s5 =	sshrl.u32 s8, $0x3  }
0xa: {  	s12 =	ssub.s32 s7, s15;
	s17 =	sshll.u32 s8, $0x7;
	s20 =	sor.u32 $0x20, s8  }
0xb: {  	s21 =	sor.u32 $0x40, s8;
	s8 =	sor.u32 $0x60, s8;
	s15 =	simm.s32 $0x880  }
0xc: {  	s16 =	sadd.s32 s9, s5;
	s18 =	sadd.s32 s0, s17;
	s11 =	sadd.s32 s3, s17  }
0xd: {  	s10 =	sshrl.u32 s20, $0x3;
	s5 =	sadd.s32 $0xC00, s6;
	s7 =	sshll.u32 s20, $0x7  }
0xe: {  	s13 =	sshrl.u32 s21, $0x3;
	s6 =	sadd.s32 $0xD00, s6;
	s24 =	sshll.u32 s21, $0x7  }
0xf: {  	s25 =	sshrl.u32 s8, $0x3;
	s26 =	sshll.u32 s8, $0x7;
	s12 =	smax.u32 s12, $0x1  }
0x10: {  	s17 =	simm.s32 $0x1880;
	s20 =	simm.s32 $0x3080;
	[dreg:$0x4] =	wrdreg s16  }
0x11: {  	s21 =	simm.s32 $0x3880;
	[dreg:$0x5] =	wrdreg s18;
	s19 =	sadd.s32 $0xA0400, s11  }
0x12: {  	s10 =	sadd.s32 s9, s10;
	s7 =	sadd.s32 s0, s7;
	s22 =	sadd.s32 $0xA1400, s11  }
0x13: {  	s23 =	sadd.s32 s9, s13;
	s8 =	sadd.s32 $0xA2400, s11;
	[dreg:$0x6] =	wrdreg s19  }
0x14: {  	s9 =	sadd.s32 s9, s25;
	s11 =	sadd.s32 $0xA3400, s11;
	[dreg:$0x7] =	wrdreg s10  }
0x15: {  	s13 =	simm.s32 $0x3;
	s16 =	simm.s32 $0x1080;
	[dreg:$0x8] =	wrdreg s7  }
0x16: {  	s18 =	simm.s32 $0x2080;
	s25 =	simm.s32 $0x5880;
	[dreg:$0x9] =	wrdreg s22  }
0x17: {  	v2 =	vlaneseq.u32;
	[dreg:$0xa] =	wrdreg s23;
	s7 =	sadd.s32 s0, s24;
	s10 =	sadd.s32 s0, s26  }
0x18: {  	vm0 =	vmmov $0xffff;
	v1 =	vshrl.u32 v2, $0x3;
	s19 =	simm.s32 $0x2880;
	s22 =	simm.s32 $0x4080;
	s23 =	simm.s32 $0x4880  }
0x19: {  	v0 =	vand.u32 $0x7, v2;
	v2 =	vor.u32 $0x8, v2;
	v1 =	vmul.u32 $0x8, v1;
	s24 =	simm.s32 $0x5080;
	s26 =	simm.s32 $0x6080;
	s0 =	simm.s32 $0x2  }
.LBB2_1:
0x1a: {  	s1 =	rddreg [dreg:$0x4]  }
0x1b: {  	[tilespmem:s2], [sflag:$0x3] =	stream.linear.gather [hbm4b:s1+s2], $0x20, $0x38;
	[tilespmem:$0x8080] =	vst v63  }
0x1c: {  	_ =	swait.ge [sflag:s13], $0x20  }
0x1d: {  	[sflag:s13] =	ssyncset.done $0x0  }
0x1e: {  	s1 =	rddreg [dreg:$0x5];
	[sflag:s13] =	ssyncadd.s32 $0xFFFFFFE0  }
0x1f: {  	[tilespmem:s14], [sflag:$0x3] =	stream.linear.gather [hbm4b:s1+s2], $0x8000, $0x38;
	[tilespmem:$0x8080] =	vst v63  }
0x20: {  	_ =	swait.ge [sflag:s13], $0x8000  }
0x21: {  	[sflag:s13] =	ssyncset.done $0x0  }
0x22: {  	s1 =	rddreg [dreg:$0x6];
	[sflag:s13] =	ssyncadd.s32 $0xFFFF8000  }
0x23: {  	[hbm4b:s1+s2] =	stream.linear.scatter [tilespmem:s14], [sflag:$0x2], $0x8000, $0x38;
	[tilespmem:$0x8080] =	vst v63  }
0x24: {  	v3 =	vld [tilespmem:$0x0];
	_ =	sdelay $0x4  }
0x25: {  	v4 =	vshll.u32 v3, $0x3  }
0x26: {  	v3 =	vand.u32 $0x7, v3;
	v4 =	vand.u32 $0xFFFFFFC0, v4  }
0x27: {  	v3 =	vor.u32 v3, v4  }
0x28: {  	v4 =	vperm.xlane v3, v0;
	_ =	sdelay $0x1  }
0x29: {  	v4 =	vadd.s32 v1, v4;
	_ =	sdelay $0x4  }
0x2a: {  	[hbm4b:s3+s2] =	stream.indirect_vreg.scatter [tilespmem:s14], [sflag:$0x1], $0x80, v4, vm0, $0xb8;
	[tilespmem:$0x8080] =	vst v63  }
0x2b: {  	v3 =	vperm.xlane v3, v2  }
0x2c: {  	[hbm4b:s4+s2] =	stream.indirect_vreg.scatter [tilespmem:s15], [sflag:$0x1], $0x80, v4, vm0, $0xb8;
	[tilespmem:$0x8080] =	vst v63  }
0x2d: {  	v3 =	vadd.s32 v1, v3  }
0x2e: {  	[hbm4b:s5+s2] =	stream.indirect_vreg.scatter [tilespmem:s16], [sflag:$0x1], $0x80, v4, vm0, $0xb8;
	[tilespmem:$0x8080] =	vst v63  }
0x2f: {  	_ = 	snop  }
0x30: {  	[hbm4b:s6+s2] =	stream.indirect_vreg.scatter [tilespmem:s17], [sflag:$0x1], $0x80, v4, vm0, $0xb8;
	[tilespmem:$0x8080] =	vst v63  }
0x31: {  	_ = 	snop  }
0x32: {  	[hbm4b:s3+s2] =	stream.indirect_vreg.scatter [tilespmem:s18], [sflag:$0x1], $0x80, v3, vm0, $0xb8;
	[tilespmem:$0x8080] =	vst v63  }
0x33: {  	_ = 	snop  }
0x34: {  	[hbm4b:s4+s2] =	stream.indirect_vreg.scatter [tilespmem:s19], [sflag:$0x1], $0x80, v3, vm0, $0xb8;
	[tilespmem:$0x8080] =	vst v63  }
0x35: {  	_ = 	snop  }
0x36: {  	[hbm4b:s5+s2] =	stream.indirect_vreg.scatter [tilespmem:s20], [sflag:$0x1], $0x80, v3, vm0, $0xb8;
	[tilespmem:$0x8080] =	vst v63  }
0x37: {  	_ = 	snop  }
0x38: {  	[hbm4b:s6+s2] =	stream.indirect_vreg.scatter [tilespmem:s21], [sflag:$0x1], $0x80, v3, vm0, $0xb8;
	[tilespmem:$0x8080] =	vst v63  }
0x39: {  	v3 =	vld [tilespmem:$0x10];
	_ =	sdelay $0x4  }
0x3a: {  	v57 =	vshll.u32 v3, $0x3  }
0x3b: {  	v3 =	vand.u32 $0x7, v3;
	v4 =	vand.u32 $0xFFFFFFC0, v57  }
0x3c: {  	v3 =	vor.u32 v3, v4  }
0x3d: {  	v4 =	vperm.xlane v3, v0;
	_ =	sdelay $0x1  }
0x3e: {  	v4 =	vadd.s32 v1, v4;
	_ =	sdelay $0x4  }
0x3f: {  	[hbm4b:s3+s2] =	stream.indirect_vreg.scatter [tilespmem:s22], [sflag:$0x1], $0x80, v4, vm0, $0xb8;
	[tilespmem:$0x8080] =	vst v63  }
0x40: {  	v3 =	vperm.xlane v3, v2  }
0x41: {  	[hbm4b:s4+s2] =	stream.indirect_vreg.scatter [tilespmem:s23], [sflag:$0x1], $0x80, v4, vm0, $0xb8;
	[tilespmem:$0x8080] =	vst v63  }
0x42: {  	v3 =	vadd.s32 v1, v3  }
0x43: {  	[hbm4b:s5+s2] =	stream.indirect_vreg.scatter [tilespmem:s24], [sflag:$0x1], $0x80, v4, vm0, $0xb8;
	[tilespmem:$0x8080] =	vst v63  }
0x44: {  	_ = 	snop  }
0x45: {  	[hbm4b:s6+s2] =	stream.indirect_vreg.scatter [tilespmem:s25], [sflag:$0x1], $0x80, v4, vm0, $0xb8;
	[tilespmem:$0x8080] =	vst v63  }
0x46: {  	_ = 	snop  }
0x47: {  	[hbm4b:s3+s2] =	stream.indirect_vreg.scatter [tilespmem:s26], [sflag:$0x1], $0x80, v3, vm0, $0xb8;
	[tilespmem:$0x8080] =	vst v63  }
0x48: {  	_ = 	snop  }
0x49: {  	[hbm4b:s4+s2] =	stream.indirect_vreg.scatter [tilespmem:s28], [sflag:$0x1], $0x80, v3, vm0, $0xb8;
	[tilespmem:$0x8080] =	vst v63  }
0x4a: {  	_ = 	snop  }
0x4b: {  	[hbm4b:s5+s2] =	stream.indirect_vreg.scatter [tilespmem:s29], [sflag:$0x1], $0x80, v3, vm0, $0xb8;
	[tilespmem:$0x8080] =	vst v63  }
0x4c: {  	_ = 	snop  }
0x4d: {  	[hbm4b:s6+s2] =	stream.indirect_vreg.scatter [tilespmem:s30], [sflag:$0x1], $0x80, v3, vm0, $0xb8;
	[tilespmem:$0x8080] =	vst v63  }
0x4e: {  	_ =	swait.ge [sflag:s31], $0x8000  }
0x4f: {  	[sflag:s31] =	ssyncset.done $0x0  }
0x50: {  	[sflag:s31] =	ssyncadd.s32 $0xFFFF8000  }
0x51: {  	_ =	swait.ge [sflag:s0], $0x8000  }
0x52: {  	[sflag:s0] =	ssyncset.done $0x0  }
0x53: {  	s1 =	rddreg [dreg:$0x7];
	[sflag:s0] =	ssyncadd.s32 $0xFFFF8000  }
0x54: {  	[tilespmem:s2], [sflag:$0x3] =	stream.linear.gather [hbm4b:s1+s2], $0x20, $0x38;
	[tilespmem:$0x8080] =	vst v63  }
0x55: {  	_ =	swait.ge [sflag:s13], $0x20  }
0x56: {  	[sflag:s13] =	ssyncset.done $0x0  }
0x57: {  	s1 =	rddreg [dreg:$0x8];
	[sflag:s13] =	ssyncadd.s32 $0xFFFFFFE0  }
0x58: {  	[tilespmem:s14], [sflag:$0x3] =	stream.linear.gather [hbm4b:s1+s2], $0x8000, $0x38;
	[tilespmem:$0x8080] =	vst v63  }
0x59: {  	_ =	swait.ge [sflag:s13], $0x8000  }
0x5a: {  	[sflag:s13] =	ssyncset.done $0x0  }
0x5b: {  	s1 =	rddreg [dreg:$0x9];
	[sflag:s13] =	ssyncadd.s32 $0xFFFF8000  }
0x5c: {  	[hbm4b:s1+s2] =	stream.linear.scatter [tilespmem:s14], [sflag:$0x2], $0x8000, $0x38;
	[tilespmem:$0x8080] =	vst v63  }
0x5d: {  	v3 =	vld [tilespmem:$0x0];
	_ =	sdelay $0x4  }
0x5e: {  	v58 =	vshll.u32 v3, $0x3  }
0x5f: {  	v3 =	vand.u32 $0x7, v3;
	v4 =	vand.u32 $0xFFFFFFC0, v58  }
0x60: {  	v3 =	vor.u32 v3, v4  }
0x61: {  	v4 =	vperm.xlane v3, v0;
	_ =	sdelay $0x1  }
0x62: {  	v4 =	vadd.s32 v1, v4;
	_ =	sdelay $0x4  }
0x63: {  	[hbm4b:s3+s2] =	stream.indirect_vreg.scatter [tilespmem:s14], [sflag:$0x1], $0x80, v4, vm0, $0xb8;
	[tilespmem:$0x8080] =	vst v63  }
0x64: {  	v3 =	vperm.xlane v3, v2  }
0x65: {  	[hbm4b:s4+s2] =	stream.indirect_vreg.scatter [tilespmem:s15], [sflag:$0x1], $0x80, v4, vm0, $0xb8;
	[tilespmem:$0x8080] =	vst v63  }
0x66: {  	v3 =	vadd.s32 v1, v3  }
0x67: {  	[hbm4b:s5+s2] =	stream.indirect_vreg.scatter [tilespmem:s16], [sflag:$0x1], $0x80, v4, vm0, $0xb8;
	[tilespmem:$0x8080] =	vst v63  }
0x68: {  	_ = 	snop  }
0x69: {  	[hbm4b:s6+s2] =	stream.indirect_vreg.scatter [tilespmem:s17], [sflag:$0x1], $0x80, v4, vm0, $0xb8;
	[tilespmem:$0x8080] =	vst v63  }
0x6a: {  	_ = 	snop  }
0x6b: {  	[hbm4b:s3+s2] =	stream.indirect_vreg.scatter [tilespmem:s18], [sflag:$0x1], $0x80, v3, vm0, $0xb8;
	[tilespmem:$0x8080] =	vst v63  }
0x6c: {  	_ = 	snop  }
0x6d: {  	[hbm4b:s4+s2] =	stream.indirect_vreg.scatter [tilespmem:s19], [sflag:$0x1], $0x80, v3, vm0, $0xb8;
	[tilespmem:$0x8080] =	vst v63  }
0x6e: {  	_ = 	snop  }
0x6f: {  	[hbm4b:s5+s2] =	stream.indirect_vreg.scatter [tilespmem:s20], [sflag:$0x1], $0x80, v3, vm0, $0xb8;
	[tilespmem:$0x8080] =	vst v63  }
0x70: {  	_ = 	snop  }
0x71: {  	[hbm4b:s6+s2] =	stream.indirect_vreg.scatter [tilespmem:s21], [sflag:$0x1], $0x80, v3, vm0, $0xb8;
	[tilespmem:$0x8080] =	vst v63  }
0x72: {  	v3 =	vld [tilespmem:$0x10];
	_ =	sdelay $0x4  }
0x73: {  	v59 =	vshll.u32 v3, $0x3  }
0x74: {  	v3 =	vand.u32 $0x7, v3;
	v4 =	vand.u32 $0xFFFFFFC0, v59  }
0x75: {  	v3 =	vor.u32 v3, v4  }
0x76: {  	v4 =	vperm.xlane v3, v0;
	_ =	sdelay $0x1  }
0x77: {  	v4 =	vadd.s32 v1, v4;
	_ =	sdelay $0x4  }
0x78: {  	[hbm4b:s3+s2] =	stream.indirect_vreg.scatter [tilespmem:s22], [sflag:$0x1], $0x80, v4, vm0, $0xb8;
	[tilespmem:$0x8080] =	vst v63  }
0x79: {  	v3 =	vperm.xlane v3, v2  }
0x7a: {  	[hbm4b:s4+s2] =	stream.indirect_vreg.scatter [tilespmem:s23], [sflag:$0x1], $0x80, v4, vm0, $0xb8;
	[tilespmem:$0x8080] =	vst v63  }
0x7b: {  	v3 =	vadd.s32 v1, v3  }
0x7c: {  	[hbm4b:s5+s2] =	stream.indirect_vreg.scatter [tilespmem:s24], [sflag:$0x1], $0x80, v4, vm0, $0xb8;
	[tilespmem:$0x8080] =	vst v63  }
0x7d: {  	_ = 	snop  }
0x7e: {  	[hbm4b:s6+s2] =	stream.indirect_vreg.scatter [tilespmem:s25], [sflag:$0x1], $0x80, v4, vm0, $0xb8;
	[tilespmem:$0x8080] =	vst v63  }
0x7f: {  	_ = 	snop  }
0x80: {  	[hbm4b:s3+s2] =	stream.indirect_vreg.scatter [tilespmem:s26], [sflag:$0x1], $0x80, v3, vm0, $0xb8;
	[tilespmem:$0x8080] =	vst v63  }
0x81: {  	_ = 	snop  }
0x82: {  	[hbm4b:s4+s2] =	stream.indirect_vreg.scatter [tilespmem:s28], [sflag:$0x1], $0x80, v3, vm0, $0xb8;
	[tilespmem:$0x8080] =	vst v63  }
0x83: {  	_ = 	snop  }
0x84: {  	[hbm4b:s5+s2] =	stream.indirect_vreg.scatter [tilespmem:s29], [sflag:$0x1], $0x80, v3, vm0, $0xb8;
	[tilespmem:$0x8080] =	vst v63  }
0x85: {  	_ = 	snop  }
0x86: {  	[hbm4b:s6+s2] =	stream.indirect_vreg.scatter [tilespmem:s30], [sflag:$0x1], $0x80, v3, vm0, $0xb8;
	[tilespmem:$0x8080] =	vst v63  }
0x87: {  	_ =	swait.ge [sflag:s31], $0x8000  }
0x88: {  	[sflag:s31] =	ssyncset.done $0x0  }
0x89: {  	[sflag:s31] =	ssyncadd.s32 $0xFFFF8000  }
0x8a: {  	_ =	swait.ge [sflag:s0], $0x8000  }
0x8b: {  	[sflag:s0] =	ssyncset.done $0x0  }
0x8c: {  	s1 =	rddreg [dreg:$0xa];
	[sflag:s0] =	ssyncadd.s32 $0xFFFF8000  }
0x8d: {  	[tilespmem:s2], [sflag:$0x3] =	stream.linear.gather [hbm4b:s1+s2], $0x20, $0x38;
	[tilespmem:$0x8080] =	vst v63  }
0x8e: {  	_ =	swait.ge [sflag:s13], $0x20  }
0x8f: {  	[sflag:s13] =	ssyncset.done $0x0  }
0x90: {  	[sflag:s13] =	ssyncadd.s32 $0xFFFFFFE0  }
0x91: {  	[tilespmem:s14], [sflag:$0x3] =	stream.linear.gather [hbm4b:s7+s2], $0x8000, $0x38;
	[tilespmem:$0x8080] =	vst v63  }
0x92: {  	_ =	swait.ge [sflag:s13], $0x8000  }
0x93: {  	[sflag:s13] =	ssyncset.done $0x0  }
0x94: {  	[sflag:s13] =	ssyncadd.s32 $0xFFFF8000  }
0x95: {  	[hbm4b:s8+s2] =	stream.linear.scatter [tilespmem:s14], [sflag:$0x2], $0x8000, $0x38;
	[tilespmem:$0x8080] =	vst v63  }
0x96: {  	v3 =	vld [tilespmem:$0x0];
	_ =	sdelay $0x4  }
0x97: {  	v60 =	vshll.u32 v3, $0x3  }
0x98: {  	v3 =	vand.u32 $0x7, v3;
	v4 =	vand.u32 $0xFFFFFFC0, v60  }
0x99: {  	v3 =	vor.u32 v3, v4  }
0x9a: {  	v4 =	vperm.xlane v3, v0;
	_ =	sdelay $0x1  }
0x9b: {  	v4 =	vadd.s32 v1, v4;
	_ =	sdelay $0x4  }
0x9c: {  	[hbm4b:s3+s2] =	stream.indirect_vreg.scatter [tilespmem:s14], [sflag:$0x1], $0x80, v4, vm0, $0xb8;
	[tilespmem:$0x8080] =	vst v63  }
0x9d: {  	v3 =	vperm.xlane v3, v2  }
0x9e: {  	[hbm4b:s4+s2] =	stream.indirect_vreg.scatter [tilespmem:s15], [sflag:$0x1], $0x80, v4, vm0, $0xb8;
	[tilespmem:$0x8080] =	vst v63  }
0x9f: {  	v3 =	vadd.s32 v1, v3  }
0xa0: {  	[hbm4b:s5+s2] =	stream.indirect_vreg.scatter [tilespmem:s16], [sflag:$0x1], $0x80, v4, vm0, $0xb8;
	[tilespmem:$0x8080] =	vst v63  }
0xa1: {  	_ = 	snop  }
0xa2: {  	[hbm4b:s6+s2] =	stream.indirect_vreg.scatter [tilespmem:s17], [sflag:$0x1], $0x80, v4, vm0, $0xb8;
	[tilespmem:$0x8080] =	vst v63  }
0xa3: {  	_ = 	snop  }
0xa4: {  	[hbm4b:s3+s2] =	stream.indirect_vreg.scatter [tilespmem:s18], [sflag:$0x1], $0x80, v3, vm0, $0xb8;
	[tilespmem:$0x8080] =	vst v63  }
0xa5: {  	_ = 	snop  }
0xa6: {  	[hbm4b:s4+s2] =	stream.indirect_vreg.scatter [tilespmem:s19], [sflag:$0x1], $0x80, v3, vm0, $0xb8;
	[tilespmem:$0x8080] =	vst v63  }
0xa7: {  	_ = 	snop  }
0xa8: {  	[hbm4b:s5+s2] =	stream.indirect_vreg.scatter [tilespmem:s20], [sflag:$0x1], $0x80, v3, vm0, $0xb8;
	[tilespmem:$0x8080] =	vst v63  }
0xa9: {  	_ = 	snop  }
0xaa: {  	[hbm4b:s6+s2] =	stream.indirect_vreg.scatter [tilespmem:s21], [sflag:$0x1], $0x80, v3, vm0, $0xb8;
	[tilespmem:$0x8080] =	vst v63  }
0xab: {  	v3 =	vld [tilespmem:$0x10];
	_ =	sdelay $0x4  }
0xac: {  	v61 =	vshll.u32 v3, $0x3  }
0xad: {  	v3 =	vand.u32 $0x7, v3;
	v4 =	vand.u32 $0xFFFFFFC0, v61  }
0xae: {  	v3 =	vor.u32 v3, v4  }
0xaf: {  	v4 =	vperm.xlane v3, v0;
	_ =	sdelay $0x1  }
0xb0: {  	v4 =	vadd.s32 v1, v4;
	_ =	sdelay $0x4  }
0xb1: {  	[hbm4b:s3+s2] =	stream.indirect_vreg.scatter [tilespmem:s22], [sflag:$0x1], $0x80, v4, vm0, $0xb8;
	[tilespmem:$0x8080] =	vst v63  }
0xb2: {  	v3 =	vperm.xlane v3, v2  }
0xb3: {  	[hbm4b:s4+s2] =	stream.indirect_vreg.scatter [tilespmem:s23], [sflag:$0x1], $0x80, v4, vm0, $0xb8;
	[tilespmem:$0x8080] =	vst v63  }
0xb4: {  	v3 =	vadd.s32 v1, v3  }
0xb5: {  	[hbm4b:s5+s2] =	stream.indirect_vreg.scatter [tilespmem:s24], [sflag:$0x1], $0x80, v4, vm0, $0xb8;
	[tilespmem:$0x8080] =	vst v63  }
0xb6: {  	_ = 	snop  }
0xb7: {  	[hbm4b:s6+s2] =	stream.indirect_vreg.scatter [tilespmem:s25], [sflag:$0x1], $0x80, v4, vm0, $0xb8;
	[tilespmem:$0x8080] =	vst v63  }
0xb8: {  	_ = 	snop  }
0xb9: {  	[hbm4b:s3+s2] =	stream.indirect_vreg.scatter [tilespmem:s26], [sflag:$0x1], $0x80, v3, vm0, $0xb8;
	[tilespmem:$0x8080] =	vst v63  }
0xba: {  	_ = 	snop  }
0xbb: {  	[hbm4b:s4+s2] =	stream.indirect_vreg.scatter [tilespmem:s28], [sflag:$0x1], $0x80, v3, vm0, $0xb8;
	[tilespmem:$0x8080] =	vst v63  }
0xbc: {  	_ = 	snop  }
0xbd: {  	[hbm4b:s5+s2] =	stream.indirect_vreg.scatter [tilespmem:s29], [sflag:$0x1], $0x80, v3, vm0, $0xb8;
	[tilespmem:$0x8080] =	vst v63  }
0xbe: {  	_ = 	snop  }
0xbf: {  	[hbm4b:s6+s2] =	stream.indirect_vreg.scatter [tilespmem:s30], [sflag:$0x1], $0x80, v3, vm0, $0xb8;
	[tilespmem:$0x8080] =	vst v63  }
0xc0: {  	_ =	swait.ge [sflag:s31], $0x8000  }
0xc1: {  	[sflag:s31] =	ssyncset.done $0x0  }
0xc2: {  	[sflag:s31] =	ssyncadd.s32 $0xFFFF8000  }
0xc3: {  	_ =	swait.ge [sflag:s0], $0x8000  }
0xc4: {  	[sflag:s0] =	ssyncset.done $0x0  }
0xc5: {  	[sflag:s0] =	ssyncadd.s32 $0xFFFF8000  }
0xc6: {  	[tilespmem:s2], [sflag:$0x3] =	stream.linear.gather [hbm4b:s9+s2], $0x20, $0x38;
	[tilespmem:$0x8080] =	vst v63  }
0xc7: {  	_ =	swait.ge [sflag:s13], $0x20  }
0xc8: {  	[sflag:s13] =	ssyncset.done $0x0  }
0xc9: {  	[sflag:s13] =	ssyncadd.s32 $0xFFFFFFE0  }
0xca: {  	[tilespmem:s14], [sflag:$0x3] =	stream.linear.gather [hbm4b:s10+s2], $0x8000, $0x38;
	[tilespmem:$0x8080] =	vst v63  }
0xcb: {  	_ =	swait.ge [sflag:s13], $0x8000  }
0xcc: {  	[sflag:s13] =	ssyncset.done $0x0  }
0xcd: {  	[sflag:s13] =	ssyncadd.s32 $0xFFFF8000  }
0xce: {  	[hbm4b:s11+s2] =	stream.linear.scatter [tilespmem:s14], [sflag:$0x2], $0x8000, $0x38;
	[tilespmem:$0x8080] =	vst v63  }
0xcf: {  	v3 =	vld [tilespmem:$0x0];
	_ =	sdelay $0x4  }
0xd0: {  	v62 =	vshll.u32 v3, $0x3  }
0xd1: {  	v3 =	vand.u32 $0x7, v3;
	v4 =	vand.u32 $0xFFFFFFC0, v62  }
0xd2: {  	v3 =	vor.u32 v3, v4  }
0xd3: {  	v4 =	vperm.xlane v3, v0;
	_ =	sdelay $0x1  }
0xd4: {  	v4 =	vadd.s32 v1, v4;
	_ =	sdelay $0x4  }
0xd5: {  	[hbm4b:s3+s2] =	stream.indirect_vreg.scatter [tilespmem:s14], [sflag:$0x1], $0x80, v4, vm0, $0xb8;
	[tilespmem:$0x8080] =	vst v63  }
0xd6: {  	v3 =	vperm.xlane v3, v2  }
0xd7: {  	[hbm4b:s4+s2] =	stream.indirect_vreg.scatter [tilespmem:s15], [sflag:$0x1], $0x80, v4, vm0, $0xb8;
	[tilespmem:$0x8080] =	vst v63  }
0xd8: {  	v3 =	vadd.s32 v1, v3  }
0xd9: {  	[hbm4b:s5+s2] =	stream.indirect_vreg.scatter [tilespmem:s16], [sflag:$0x1], $0x80, v4, vm0, $0xb8;
	[tilespmem:$0x8080] =	vst v63  }
0xda: {  	_ = 	snop  }
0xdb: {  	[hbm4b:s6+s2] =	stream.indirect_vreg.scatter [tilespmem:s17], [sflag:$0x1], $0x80, v4, vm0, $0xb8;
	[tilespmem:$0x8080] =	vst v63  }
0xdc: {  	_ = 	snop  }
0xdd: {  	[hbm4b:s3+s2] =	stream.indirect_vreg.scatter [tilespmem:s18], [sflag:$0x1], $0x80, v3, vm0, $0xb8;
	[tilespmem:$0x8080] =	vst v63  }
0xde: {  	_ = 	snop  }
0xdf: {  	[hbm4b:s4+s2] =	stream.indirect_vreg.scatter [tilespmem:s19], [sflag:$0x1], $0x80, v3, vm0, $0xb8;
	[tilespmem:$0x8080] =	vst v63  }
0xe0: {  	_ = 	snop  }
0xe1: {  	[hbm4b:s5+s2] =	stream.indirect_vreg.scatter [tilespmem:s20], [sflag:$0x1], $0x80, v3, vm0, $0xb8;
	[tilespmem:$0x8080] =	vst v63  }
0xe2: {  	_ = 	snop  }
0xe3: {  	[hbm4b:s6+s2] =	stream.indirect_vreg.scatter [tilespmem:s21], [sflag:$0x1], $0x80, v3, vm0, $0xb8;
	[tilespmem:$0x8080] =	vst v63  }
0xe4: {  	v3 =	vld [tilespmem:$0x10];
	_ =	sdelay $0x4  }
0xe5: {  	v63 =	vshll.u32 v3, $0x3  }
0xe6: {  	v3 =	vand.u32 $0x7, v3;
	v4 =	vand.u32 $0xFFFFFFC0, v63  }
0xe7: {  	v3 =	vor.u32 v3, v4  }
0xe8: {  	v4 =	vperm.xlane v3, v0;
	_ =	sdelay $0x1  }
0xe9: {  	v4 =	vadd.s32 v1, v4;
	_ =	sdelay $0x4  }
0xea: {  	[hbm4b:s3+s2] =	stream.indirect_vreg.scatter [tilespmem:s22], [sflag:$0x1], $0x80, v4, vm0, $0xb8;
	[tilespmem:$0x8080] =	vst v63  }
0xeb: {  	v3 =	vperm.xlane v3, v2  }
0xec: {  	[hbm4b:s4+s2] =	stream.indirect_vreg.scatter [tilespmem:s23], [sflag:$0x1], $0x80, v4, vm0, $0xb8;
	[tilespmem:$0x8080] =	vst v63  }
0xed: {  	v3 =	vadd.s32 v1, v3  }
0xee: {  	[hbm4b:s5+s2] =	stream.indirect_vreg.scatter [tilespmem:s24], [sflag:$0x1], $0x80, v4, vm0, $0xb8;
	[tilespmem:$0x8080] =	vst v63  }
0xef: {  	_ = 	snop  }
0xf0: {  	[hbm4b:s6+s2] =	stream.indirect_vreg.scatter [tilespmem:s25], [sflag:$0x1], $0x80, v4, vm0, $0xb8;
	[tilespmem:$0x8080] =	vst v63  }
0xf1: {  	_ = 	snop  }
0xf2: {  	[hbm4b:s3+s2] =	stream.indirect_vreg.scatter [tilespmem:s26], [sflag:$0x1], $0x80, v3, vm0, $0xb8;
	[tilespmem:$0x8080] =	vst v63  }
0xf3: {  	_ = 	snop  }
0xf4: {  	[hbm4b:s4+s2] =	stream.indirect_vreg.scatter [tilespmem:s28], [sflag:$0x1], $0x80, v3, vm0, $0xb8;
	[tilespmem:$0x8080] =	vst v63  }
0xf5: {  	_ = 	snop  }
0xf6: {  	[hbm4b:s5+s2] =	stream.indirect_vreg.scatter [tilespmem:s29], [sflag:$0x1], $0x80, v3, vm0, $0xb8;
	[tilespmem:$0x8080] =	vst v63  }
0xf7: {  	_ = 	snop  }
0xf8: {  	[hbm4b:s6+s2] =	stream.indirect_vreg.scatter [tilespmem:s30], [sflag:$0x1], $0x80, v3, vm0, $0xb8;
	[tilespmem:$0x8080] =	vst v63  }
0xf9: {  	p0 =	sne.s32 s12, $0x1;
	_ =	swait.ge [sflag:s31], $0x8000  }
.Ltmp0:
0xfa: {  	[sflag:s31] =	ssyncset.done $0x0;
	(pc) =	sbr.rel @p0 .LBB2_1-.Ltmp0, $4  }
0xfb: {  	[sflag:s31] =	ssyncadd.s32 $0xFFFF8000  }
0xfc: {  	_ =	swait.ge [sflag:s0], $0x8000  }
0xfd: {  	[sflag:s0] =	ssyncset.done $0x0  }
0xfe: {  	s12 =	sadd.s32 $0xFFFFFFFF, s12;
	[sflag:s0] =	ssyncadd.s32 $0xFFFF8000  }
0xff: {  	_ =	sfence.sel $0x180000  }
0x100: {  	[bflag:$0x0] =	sbarrier.arrive $0xFFFF  }
0x101: {  	_ =	strace $0x90000047  }
0x102: {  	s0 =	stileid.u32;
	[bflag:$0x2] =	sbarrier.arrive $0xFFFF  }
0x103: {  	p0 =	sne.s32 s0, $0x0;
	s0 =	rddreg [dreg:$0x3]  }
0x104: {  	s0 =	sadd.s32 @!p0 $0x100000, s0  }
0x105: {  	[sflag:s0] =	ssyncadd.tile.s32 @!p0 $0x1;
	_ =	shalt  }
.Lfunc_end2:
_tile_overlayer_lowered:
.L_overlay_start_2:
0x106: {  	(tag) =	ssettag $0x2  }
0x107: {  	s0 =	rddreg [dreg:$0x0];
	s2 =	stileid.u32  }
0x108: {  	s1 =	rddreg [dreg:$0x1];
	p0 =	sne.s32 s2, $0x0  }
0x109: {  	s3 =	rddreg [dreg:$0x2];
	[bflag:$0x3] =	sbarrier.arrive $0xFFFF;
	s2 =	simm.s32 @!p0 $0x1C03  }
0x10a: {  	[timem:s3], [sflag:s2] =	dma.local @!p0 [hbm:s0], s1  }
0x10b: {  	s0 =	simm.s32 @!p0 $0x3  }
0x10c: {  	_ =	swait.ge @!p0 [sflag:s0], s1  }
0x10d: {  	s1 =	ssub.s32 @!p0 $0x0, s1;
	[sflag:s0] =	ssyncset.done @!p0 $0x0  }
0x10e: {  	[sflag:s0] =	ssyncadd.s32 @!p0 s1  }
0x10f: {  	[bflag:$0x3] =	sbarrier.arrive $0xFFFF  }
0x110: {  	_ =	shalt  }

</sc_bundles>
